<compile_context>
chip_gen: v7x
topology: tpu7x:2x2x1
jax: 0.10.2.dev20260603
libtpu: 0.0.44.dev20260713+nightly
codegen_flags: <defaults>
</compile_context>

<pallas_src>
import functools

import jax
import jax.numpy as jnp
from jax import lax
from jax.experimental import pallas as pl
from jax.experimental.pallas import tpu as pltpu
from jax.experimental.pallas import tpu_sc as plsc

O = 10000
E = 160000
DIN = 128
H = 128
DOUT = 128
EPS = 1e-3

NC = 2
NS = 16
NW = NC * NS
LANES = 16

CHUNK_G = 64
NCHUNK_G = E // CHUNK_G
BASE_G = NCHUNK_G // NW
EXTRA_G = NCHUNK_G - BASE_G * NW
CHUNK_S = 32
ROWS_S = 2 * CHUNK_S
NCHUNK_S = E // CHUNK_S
BASE_S = NCHUNK_S // NW
EXTRA_S = NCHUNK_S - BASE_S * NW
HP = H + LANES
O_PAD = 10240
ROWS_PER_SUB = O_PAD // NS

@functools.cache
def _sc_mesh():
  return plsc.VectorSubcoreMesh(
      core_axis_name="c", subcore_axis_name="s", num_cores=NC,
      num_subcores=NS)


def _lrelu(x):
  return jnp.where(x >= 0, x, 0.2 * x)



def _proj_nodes_body(obj_ref, wa_ref, wc_ref, pa_ref, pc_ref):
  x = obj_ref[...]
  pa_ref[...] = jnp.dot(x, wa_ref[...], preferred_element_type=jnp.float32)
  pc_ref[...] = jnp.dot(x, wc_ref[...], preferred_element_type=jnp.float32)


def _proj_nodes(obj_vecs, w1a, w1c):
  bo = 5000
  return pl.pallas_call(
      _proj_nodes_body,
      grid=(O // bo,),
      in_specs=[
          pl.BlockSpec((bo, DIN), lambda i: (i, 0)),
          pl.BlockSpec((DIN, H), lambda i: (0, 0)),
          pl.BlockSpec((DIN, H), lambda i: (0, 0)),
      ],
      out_specs=[
          pl.BlockSpec((bo, H), lambda i: (i, 0)),
          pl.BlockSpec((bo, H), lambda i: (i, 0)),
      ],
      out_shape=[
          jax.ShapeDtypeStruct((O, H), jnp.float32),
          jax.ShapeDtypeStruct((O, H), jnp.float32),
      ],
  )(obj_vecs, w1a, w1c)



def _proj_pred_body(pred_ref, wb_ref, b1_ref, out_ref):
  out_ref[...] = (
      jnp.dot(pred_ref[...], wb_ref[...], preferred_element_type=jnp.float32)
      + b1_ref[...])


def _proj_pred(pred_vecs, w1b, b1r):
  be = 4000
  return pl.pallas_call(
      _proj_pred_body,
      grid=(E // be,),
      in_specs=[
          pl.BlockSpec((be, DIN), lambda i: (i, 0)),
          pl.BlockSpec((DIN, H), lambda i: (0, 0)),
          pl.BlockSpec((1, H), lambda i: (0, 0)),
      ],
      out_specs=pl.BlockSpec((be, H), lambda i: (i, 0)),
      out_shape=jax.ShapeDtypeStruct((E, H), jnp.float32),
  )(pred_vecs, w1b, b1r)



def _sc_gather_body(pa_hbm, pc_hbm, ppred_hbm, sidx_hbm, oidx_hbm,
                    hpre_hbm, stats_hbm,
                    idx_s, idx_o, buf_s, buf_o, buf_p, stat_v, sem):
  c = lax.axis_index("c")
  s = lax.axis_index("s")
  wid = c * NS + s
  trips = BASE_G + jnp.where(wid < EXTRA_G, 1, 0)

  zero = jnp.zeros((LANES,), jnp.float32)
  acc0 = (zero,) * 8 + (zero,) * 8

  def chunk_body(i, acc):
    base = (i * NW + wid) * CHUNK_G
    pltpu.sync_copy(sidx_hbm.at[pl.ds(base, CHUNK_G)], idx_s)
    pltpu.sync_copy(oidx_hbm.at[pl.ds(base, CHUNK_G)], idx_o)
    cp_s = pltpu.async_copy(pa_hbm.at[idx_s], buf_s, sem)
    cp_o = pltpu.async_copy(pc_hbm.at[idx_o], buf_o, sem)
    pltpu.sync_copy(ppred_hbm.at[pl.ds(base, CHUNK_G)], buf_p)
    cp_s.wait()
    cp_o.wait()

    def row_body(r, a):
      new = list(a)
      for j in range(8):
        sl = pl.ds(j * LANES, LANES)
        v = buf_s[r, sl] + buf_o[r, sl] + buf_p[r, sl]
        buf_p[r, sl] = v
        new[j] = a[j] + v
        new[8 + j] = a[8 + j] + v * v
      return tuple(new)

    acc = lax.fori_loop(0, CHUNK_G, row_body, acc)
    pltpu.sync_copy(buf_p, hpre_hbm.at[pl.ds(base, CHUNK_G)])
    return acc

  acc = lax.fori_loop(0, trips, chunk_body, acc0)
  for j in range(8):
    sl = pl.ds(j * LANES, LANES)
    stat_v[0, sl] = acc[j]
    stat_v[1, sl] = acc[8 + j]
  pltpu.sync_copy(stat_v, stats_hbm.at[wid])


@functools.cache
def _sc_gather_kernel():
  return pl.kernel(
      _sc_gather_body,
      out_type=(
          jax.ShapeDtypeStruct((E, H), jnp.float32),
          jax.ShapeDtypeStruct((NW, 8, H), jnp.float32),
      ),
      mesh=_sc_mesh(),
      scratch_types=[
          pltpu.VMEM((CHUNK_G,), jnp.int32),
          pltpu.VMEM((CHUNK_G,), jnp.int32),
          pltpu.VMEM((CHUNK_G, H), jnp.float32),
          pltpu.VMEM((CHUNK_G, H), jnp.float32),
          pltpu.VMEM((CHUNK_G, H), jnp.float32),
          pltpu.VMEM((8, H), jnp.float32),
          pltpu.SemaphoreType.DMA,
      ],
  )


def _sc_gather(*args):
  return _sc_gather_kernel()(*args)



def _bn1_affine_body(stats_ref, g1_ref, be1_ref, scale_ref, shift_ref):
  s1 = jnp.sum(stats_ref[:, 0, :], axis=0, keepdims=True)
  q1 = jnp.sum(stats_ref[:, 1, :], axis=0, keepdims=True)
  m = s1 / E
  v = q1 / E - m * m
  scale = g1_ref[...] * lax.rsqrt(v + EPS)
  scale_ref[...] = scale
  shift_ref[...] = be1_ref[...] - m * scale


def _bn1_affine(stats, g1r, be1r):
  return pl.pallas_call(
      _bn1_affine_body,
      out_shape=[
          jax.ShapeDtypeStruct((1, H), jnp.float32),
          jax.ShapeDtypeStruct((1, H), jnp.float32),
      ],
  )(stats, g1r, be1r)



def _gram_body(hpre_ref, scale_ref, shift_ref, sum_ref, gram_ref,
               acc_s, acc_g):
  i = pl.program_id(0)

  @pl.when(i == 0)
  def _():
    acc_s[...] = jnp.zeros_like(acc_s)
    acc_g[...] = jnp.zeros_like(acc_g)

  h = _lrelu(hpre_ref[...] * scale_ref[...] + shift_ref[...])
  acc_s[...] += jnp.sum(h, axis=0, keepdims=True)
  acc_g[...] += lax.dot_general(h, h, (((0,), (0,)), ((), ())),
                                preferred_element_type=jnp.float32)

  @pl.when(i == pl.num_programs(0) - 1)
  def _():
    sum_ref[...] = acc_s[...]
    gram_ref[...] = acc_g[...]


def _gram(hpre, scale1, shift1):
  be = 4000
  return pl.pallas_call(
      _gram_body,
      grid=(E // be,),
      in_specs=[
          pl.BlockSpec((be, H), lambda i: (i, 0)),
          pl.BlockSpec((1, H), lambda i: (0, 0)),
          pl.BlockSpec((1, H), lambda i: (0, 0)),
      ],
      out_specs=[
          pl.BlockSpec((1, H), lambda i: (0, 0)),
          pl.BlockSpec((H, H), lambda i: (0, 0)),
      ],
      out_shape=[
          jax.ShapeDtypeStruct((1, H), jnp.float32),
          jax.ShapeDtypeStruct((H, H), jnp.float32),
      ],
      scratch_shapes=[
          pltpu.VMEM((1, H), jnp.float32),
          pltpu.VMEM((H, H), jnp.float32),
      ],
  )(hpre, scale1, shift1)



def _bn2_affine_body(sum_ref, gram_ref, w2_ref, b2_ref, g2_ref, be2_ref,
                     scale_ref, shift_ref):
  mh = sum_ref[...] / E
  cov = gram_ref[...] / E - mh.T * mh
  w2 = w2_ref[...]
  cw = jnp.dot(cov, w2, preferred_element_type=jnp.float32)
  v2 = jnp.sum(w2 * cw, axis=0, keepdims=True)
  m2 = jnp.dot(mh, w2, preferred_element_type=jnp.float32) + b2_ref[...]
  scale = g2_ref[...] * lax.rsqrt(v2 + EPS)
  scale_ref[...] = scale
  shift_ref[...] = be2_ref[...] - m2 * scale


def _bn2_affine(sumh, gram, w2, b2r, g2r, be2r):
  w = 2 * H + DOUT
  return pl.pallas_call(
      _bn2_affine_body,
      out_shape=[
          jax.ShapeDtypeStruct((1, w), jnp.float32),
          jax.ShapeDtypeStruct((1, w), jnp.float32),
      ],
  )(sumh, gram, w2, b2r, g2r, be2r)



def _edge_out_body(hpre_ref, sc1_ref, sh1_ref, w2_ref, sc2_ref, sh2_ref,
                   pay_ref, np_ref):
  h = _lrelu(hpre_ref[...] * sc1_ref[...] + sh1_ref[...])
  t2 = jnp.dot(h, w2_ref[...], preferred_element_type=jnp.float32)
  u = _lrelu(t2 * sc2_ref[...] + sh2_ref[...])
  n = u.shape[0]
  ones = jnp.ones((n, LANES), jnp.float32)
  s_rows = jnp.concatenate([u[:, :H], ones], axis=1)
  o_rows = jnp.concatenate([u[:, H + DOUT:], ones], axis=1)
  nb = n // CHUNK_S
  pay = jnp.concatenate([s_rows.reshape(nb, CHUNK_S, HP),
                         o_rows.reshape(nb, CHUNK_S, HP)], axis=1)
  pay_ref[...] = pay
  np_ref[...] = u[:, H:H + DOUT]


def _edge_out(hpre, scale1, shift1, w2, scale2, shift2):
  be = 3200
  nb = be // CHUNK_S
  w = 2 * H + DOUT
  return pl.pallas_call(
      _edge_out_body,
      grid=(E // be,),
      in_specs=[
          pl.BlockSpec((be, H), lambda i: (i, 0)),
          pl.BlockSpec((1, H), lambda i: (0, 0)),
          pl.BlockSpec((1, H), lambda i: (0, 0)),
          pl.BlockSpec((H, w), lambda i: (0, 0)),
          pl.BlockSpec((1, w), lambda i: (0, 0)),
          pl.BlockSpec((1, w), lambda i: (0, 0)),
      ],
      out_specs=[
          pl.BlockSpec((nb, ROWS_S, HP), lambda i: (i, 0, 0)),
          pl.BlockSpec((be, DOUT), lambda i: (i, 0)),
      ],
      out_shape=[
          jax.ShapeDtypeStruct((NCHUNK_S, ROWS_S, HP), jnp.float32),
          jax.ShapeDtypeStruct((E, DOUT), jnp.float32),
      ],
  )(hpre, scale1, shift1, w2, scale2, shift2)



def _sc_scatter_body(pay_hbm, midx_hbm,
                     pooled_hbm,
                     pooled_sh, idx_v, buf_v, sem_d, sem_sc):
  c = lax.axis_index("c")
  s = lax.axis_index("s")
  wid = c * NS + s
  trips = BASE_S + jnp.where(wid < EXTRA_S, 1, 0)

  zero16 = jnp.zeros((LANES,), jnp.float32)

  def zbuf_body(r, _):
    for j in range(HP // LANES):
      buf_v[r, pl.ds(j * LANES, LANES)] = zero16
    return 0

  lax.fori_loop(0, ROWS_S, zbuf_body, 0)

  n_blk = ROWS_PER_SUB // ROWS_S
  row0 = s * ROWS_PER_SUB

  def zero_body(t, _):
    pltpu.sync_copy(buf_v, pooled_sh.at[pl.ds(row0 + t * ROWS_S, ROWS_S)])
    return 0

  lax.fori_loop(0, n_blk, zero_body, 0)
  plsc.subcore_barrier()

  def chunk_body(i, _):
    g = i * NW + wid
    pltpu.sync_copy(midx_hbm.at[g], idx_v)
    pltpu.sync_copy(pay_hbm.at[g], buf_v)
    pltpu.sync_copy(buf_v, pooled_sh.at[idx_v], add=True)
    return 0

  lax.fori_loop(0, trips, chunk_body, 0)
  plsc.subcore_barrier()

  def dump_body(t, _):
    sl = pl.ds(row0 + t * ROWS_S, ROWS_S)
    pltpu.sync_copy(pooled_sh.at[sl], buf_v)
    pltpu.sync_copy(buf_v, pooled_hbm.at[c, sl])
    return 0

  lax.fori_loop(0, n_blk, dump_body, 0)


@functools.cache
def _sc_scatter_kernel():
  return pl.kernel(
      _sc_scatter_body,
      out_type=jax.ShapeDtypeStruct((NC, O_PAD, HP), jnp.float32),
      mesh=_sc_mesh(),
      compiler_params=pltpu.CompilerParams(use_tc_tiling_on_sc=False),
      scratch_types=[
          pltpu.VMEM_SHARED((O_PAD, HP), jnp.float32),
          pltpu.VMEM((ROWS_S,), jnp.int32),
          pltpu.VMEM((ROWS_S, HP), jnp.float32),
          pltpu.SemaphoreType.DMA,
          pltpu.SemaphoreType.DMA,
      ],
  )


def _sc_scatter(*args):
  return _sc_scatter_kernel()(*args)



def _node_mlp_body(pp_ref, w3_ref, b3_ref, g3_ref, be3_ref,
                   w4_ref, b4_ref, g4_ref, be4_ref, out_ref):
  acc = pp_ref[0, :O, :] + pp_ref[1, :O, :]
  pooled = acc[:, :H]
  cnt = jnp.clip(acc[:, H:H + 1], 1.0, float(O))
  pooled = pooled / cnt

  x = jnp.dot(pooled, w3_ref[...], preferred_element_type=jnp.float32)
  x = x + b3_ref[...]
  m = jnp.mean(x, axis=0, keepdims=True)
  v = jnp.mean((x - m) * (x - m), axis=0, keepdims=True)
  h2 = _lrelu((x - m) * lax.rsqrt(v + EPS) * g3_ref[...] + be3_ref[...])

  y = jnp.dot(h2, w4_ref[...], preferred_element_type=jnp.float32)
  y = y + b4_ref[...]
  m2 = jnp.mean(y, axis=0, keepdims=True)
  v2 = jnp.mean((y - m2) * (y - m2), axis=0, keepdims=True)
  out_ref[...] = _lrelu((y - m2) * lax.rsqrt(v2 + EPS) * g4_ref[...]
                        + be4_ref[...])


def _node_mlp(pooledp, w3, b3r, g3r, be3r, w4, b4r, g4r, be4r):
  return pl.pallas_call(
      _node_mlp_body,
      out_shape=jax.ShapeDtypeStruct((O, DOUT), jnp.float32),
  )(pooledp, w3, b3r, g3r, be3r, w4, b4r, g4r, be4r)



def kernel(obj_vecs, pred_vecs, edges, W1, b1, g1, be1, W2, b2, g2, be2,
           W3, b3, g3, be3, W4, b4, g4, be4):
  edges = edges.astype(jnp.int32)
  s_idx = edges[:, 0]
  o_idx = edges[:, 1]

  w1a = W1[0:DIN, :]
  w1b = W1[DIN:2 * DIN, :]
  w1c = W1[2 * DIN:3 * DIN, :]

  b1r = b1.reshape(1, H)
  g1r = g1.reshape(1, H)
  be1r = be1.reshape(1, H)
  w = 2 * H + DOUT
  b2r = b2.reshape(1, w)
  g2r = g2.reshape(1, w)
  be2r = be2.reshape(1, w)
  b3r = b3.reshape(1, H)
  g3r = g3.reshape(1, H)
  be3r = be3.reshape(1, H)
  b4r = b4.reshape(1, DOUT)
  g4r = g4.reshape(1, DOUT)
  be4r = be4.reshape(1, DOUT)

  pa, pc = _proj_nodes(obj_vecs, w1a, w1c)
  ppred = _proj_pred(pred_vecs, w1b, b1r)

  hpre, stats = _sc_gather(pa, pc, ppred, s_idx, o_idx)

  scale1, shift1 = _bn1_affine(stats, g1r, be1r)
  sumh, gram = _gram(hpre, scale1, shift1)
  scale2, shift2 = _bn2_affine(sumh, gram, W2, b2r, g2r, be2r)

  payload, new_p = _edge_out(hpre, scale1, shift1, W2, scale2, shift2)
  midx = jnp.concatenate([s_idx.reshape(NCHUNK_S, CHUNK_S),
                          o_idx.reshape(NCHUNK_S, CHUNK_S)], axis=1)

  pooledp = _sc_scatter(payload, midx)

  new_obj = _node_mlp(pooledp, W3, b3r, g3r, be3r, W4, b4r, g4r, be4r)
  return (new_obj, new_p)

# --- scband reference (transcript-rebuilt; emitter-appended) ---
"""Pipeline reference for scband-graph-triple-conv-76476187673051 (READ-ONLY COPY).

The authoritative reference and input builder live on the scoring server;
editing this copy changes nothing except your own understanding.
"""

import jax, jax.numpy as jnp
import numpy as np

O = 10000
E = 160000
DIN = 128
H = 128
DOUT = 128


def _glorot(k, shape):
    lim = (6.0 / (shape[0] + shape[1])) ** 0.5
    return jax.random.uniform(k, shape, jnp.float32, -lim, lim)


def setup_inputs(seed: int = 0) -> dict:
    key = jax.random.key(seed)
    ks = jax.random.split(key, 8)
    inp = {}
    inp['obj_vecs'] = jax.random.normal(ks[0], (O, DIN), jnp.float32)
    inp['pred_vecs'] = jax.random.normal(ks[1], (E, DIN), jnp.float32)
    inp['edges'] = jax.random.randint(ks[2], (E, 2), 0, O)
    # net1: [3*DIN -> H -> 2*H+DOUT], each Dense followed by BatchNorm + LeakyReLU
    inp['W1'] = _glorot(ks[3], (3 * DIN, H))
    inp['b1'] = jnp.zeros((H,), jnp.float32)
    inp['g1'] = jnp.ones((H,), jnp.float32)
    inp['be1'] = jnp.zeros((H,), jnp.float32)
    inp['W2'] = _glorot(ks[4], (H, 2 * H + DOUT))
    inp['b2'] = jnp.zeros((2 * H + DOUT,), jnp.float32)
    inp['g2'] = jnp.ones((2 * H + DOUT,), jnp.float32)
    inp['be2'] = jnp.zeros((2 * H + DOUT,), jnp.float32)
    # net2: [H -> H -> DOUT]
    inp['W3'] = _glorot(ks[5], (H, H))
    inp['b3'] = jnp.zeros((H,), jnp.float32)
    inp['g3'] = jnp.ones((H,), jnp.float32)
    inp['be3'] = jnp.zeros((H,), jnp.float32)
    inp['W4'] = _glorot(ks[6], (H, DOUT))
    inp['b4'] = jnp.zeros((DOUT,), jnp.float32)
    inp['g4'] = jnp.ones((DOUT,), jnp.float32)
    inp['be4'] = jnp.zeros((DOUT,), jnp.float32)
    return inp


def _bn(x, gamma, beta, eps=1e-3):
    m = jnp.mean(x, axis=0, keepdims=True)
    v = jnp.var(x, axis=0, keepdims=True)
    return (x - m) / jnp.sqrt(v + eps) * gamma + beta


def _lrelu(x):
    return jnp.where(x >= 0, x, 0.2 * x)


def reference(obj_vecs, pred_vecs, edges, W1, b1, g1, be1, W2, b2, g2, be2, W3, b3, g3, be3, W4, b4, g4, be4):
    s_idx = edges[:, 0]
    o_idx = edges[:, 1]
    cur_s = jnp.take(obj_vecs, s_idx, axis=0)
    cur_o = jnp.take(obj_vecs, o_idx, axis=0)
    cur_t = jnp.concatenate([cur_s, pred_vecs, cur_o], axis=1)
    h = _lrelu(_bn(cur_t @ W1 + b1, g1, be1))
    new_t = _lrelu(_bn(h @ W2 + b2, g2, be2))
    new_s = new_t[:, :H]
    new_p = new_t[:, H:H + DOUT]
    new_o = new_t[:, H + DOUT:2 * H + DOUT]
    pooled = jnp.zeros((O, H), jnp.float32)
    pooled = pooled.at[s_idx].add(new_s)
    pooled = pooled.at[o_idx].add(new_o)
    ones = jnp.ones((E,), jnp.float32)
    counts = jnp.zeros((O,), jnp.float32)
    counts = counts.at[s_idx].add(ones)
    counts = counts.at[o_idx].add(ones)
    counts = jnp.clip(counts, 1.0, float(O))
    pooled = pooled / counts[:, None]
    h2 = _lrelu(_bn(pooled @ W3 + b3, g3, be3))
    new_obj = _lrelu(_bn(h2 @ W4 + b4, g4, be4))
    return (new_obj, new_p)

if __name__ == "__main__":
    import jax
    _d = setup_inputs()
    print(jax.jit(kernel)(*tuple(_d.values())))

</pallas_src>

<mosaic_0001>
#map = affine_map<(d0, d1) -> (0, 0, 0)>
#map1 = affine_map<(d0, d1) -> (0, 0)>
module attributes {stable_mosaic.version = 14 : i64} {
  func.func @_sc_scatter_body(%arg0: i32, %arg1: i32, %arg2: memref<5000x64x144xf32, #tpu.memory_space<hbm>>, %arg3: memref<5000x64xi32, #tpu.memory_space<hbm>>, %arg4: memref<2x10240x144xf32, #tpu.memory_space<hbm>>, %arg5: memref<10240x144xf32, #tpu.memory_space<vmem_shared>>, %arg6: memref<64xi32, #tpu.memory_space<vmem>>, %arg7: memref<64x144xf32, #tpu.memory_space<vmem>>, %arg8: memref<!tpu.dma_semaphore, #tpu.memory_space<semaphore_mem>>, %arg9: memref<!tpu.dma_semaphore, #tpu.memory_space<semaphore_mem>>) attributes {dimension_semantics = [#tpu.dimension_semantics<core_parallel>, #tpu.dimension_semantics<subcore_parallel>], iteration_bounds = array<i64: 2, 16>, scalar_prefetch = 0 : i64, scratch_operands = 5 : i64, tpu.core_type = #tpu.core_type<sc_vector_subcore>, window_params = [{transform_indices = #map}, {transform_indices = #map1}, {transform_indices = #map}]} {
    %mul3A = arith.constant 16 : i32
    %mul3A_0 = arith.muli %arg0, %mul3A : i32
    %add3A = arith.addi %mul3A_0, %arg1 : i32
    %lt3A = arith.constant 8 : i32
    %lt3A_1 = arith.cmpi slt, %add3A, %lt3A : i32
    %jit3A = arith.constant 1 : i32
    %jit3A_2 = arith.constant 0 : i32
    %select_n3A = arith.select %lt3A_1, %jit3A, %jit3A_2 : i32
    %add3A_3 = arith.constant 156 : i32
    %add3A_4 = arith.addi %add3A_3, %select_n3A : i32
    %broadcast_in_dim3A = arith.constant 0.000000e+00 : f32
    %broadcast_in_dim3A_5 = vector.broadcast %broadcast_in_dim3A : f32 to vector<16xf32>
    %scan3A = arith.constant 0 : i32
    %scan3A_6 = arith.constant 0 : i32
    %scan3A_7 = arith.constant 64 : i32
    %scan3A_8 = arith.addi %scan3A_6, %scan3A_7 : i32
    %scan3A_9 = arith.constant 1 : i32
    %scan3A_10 = scf.for %scan3A_40 = %scan3A_6 to %scan3A_8 step %scan3A_9 iter_args(%scan3A_41 = %scan3A) -> (i32)  : i32 {
      %swap3A = arith.index_cast %scan3A_40 : i32 to index
      %swap3A_42 = arith.constant 0 : index
      %swap3A_43 = tpu.vector_load %arg7[%swap3A, %swap3A_42] {strides = array<i32>} : memref<64x144xf32, #tpu.memory_space<vmem>>, vector<1x16xf32>,
      %swap3A_44 = vector.shape_cast %swap3A_43 : vector<1x16xf32> to vector<16xf32>
      %swap3A_45 = vector.shape_cast %broadcast_in_dim3A_5 : vector<16xf32> to vector<1x16xf32>
      tpu.vector_store %arg7[%swap3A, %swap3A_42], %swap3A_45 {strides = array<i32>} : memref<64x144xf32, #tpu.memory_space<vmem>>, vector<1x16xf32>,
      %swap3A_46 = arith.index_cast %scan3A_40 : i32 to index
      %swap3A_47 = arith.constant 16 : index
      %swap3A_48 = tpu.vector_load %arg7[%swap3A_46, %swap3A_47] {strides = array<i32>} : memref<64x144xf32, #tpu.memory_space<vmem>>, vector<1x16xf32>,
      %swap3A_49 = vector.shape_cast %swap3A_48 : vector<1x16xf32> to vector<16xf32>
      %swap3A_50 = vector.shape_cast %broadcast_in_dim3A_5 : vector<16xf32> to vector<1x16xf32>
      tpu.vector_store %arg7[%swap3A_46, %swap3A_47], %swap3A_50 {strides = array<i32>} : memref<64x144xf32, #tpu.memory_space<vmem>>, vector<1x16xf32>,
      %swap3A_51 = arith.index_cast %scan3A_40 : i32 to index
      %swap3A_52 = arith.constant 32 : index
      %swap3A_53 = tpu.vector_load %arg7[%swap3A_51, %swap3A_52] {strides = array<i32>} : memref<64x144xf32, #tpu.memory_space<vmem>>, vector<1x16xf32>,
      %swap3A_54 = vector.shape_cast %swap3A_53 : vector<1x16xf32> to vector<16xf32>
      %swap3A_55 = vector.shape_cast %broadcast_in_dim3A_5 : vector<16xf32> to vector<1x16xf32>
      tpu.vector_store %arg7[%swap3A_51, %swap3A_52], %swap3A_55 {strides = array<i32>} : memref<64x144xf32, #tpu.memory_space<vmem>>, vector<1x16xf32>,
      %swap3A_56 = arith.index_cast %scan3A_40 : i32 to index
      %swap3A_57 = arith.constant 48 : index
      %swap3A_58 = tpu.vector_load %arg7[%swap3A_56, %swap3A_57] {strides = array<i32>} : memref<64x144xf32, #tpu.memory_space<vmem>>, vector<1x16xf32>,
      %swap3A_59 = vector.shape_cast %swap3A_58 : vector<1x16xf32> to vector<16xf32>
      %swap3A_60 = vector.shape_cast %broadcast_in_dim3A_5 : vector<16xf32> to vector<1x16xf32>
      tpu.vector_store %arg7[%swap3A_56, %swap3A_57], %swap3A_60 {strides = array<i32>} : memref<64x144xf32, #tpu.memory_space<vmem>>, vector<1x16xf32>,
      %swap3A_61 = arith.index_cast %scan3A_40 : i32 to index
      %swap3A_62 = arith.constant 64 : index
      %swap3A_63 = tpu.vector_load %arg7[%swap3A_61, %swap3A_62] {strides = array<i32>} : memref<64x144xf32, #tpu.memory_space<vmem>>, vector<1x16xf32>,
      %swap3A_64 = vector.shape_cast %swap3A_63 : vector<1x16xf32> to vector<16xf32>
      %swap3A_65 = vector.shape_cast %broadcast_in_dim3A_5 : vector<16xf32> to vector<1x16xf32>
      tpu.vector_store %arg7[%swap3A_61, %swap3A_62], %swap3A_65 {strides = array<i32>} : memref<64x144xf32, #tpu.memory_space<vmem>>, vector<1x16xf32>,
      %swap3A_66 = arith.index_cast %scan3A_40 : i32 to index
      %swap3A_67 = arith.constant 80 : index
      %swap3A_68 = tpu.vector_load %arg7[%swap3A_66, %swap3A_67] {strides = array<i32>} : memref<64x144xf32, #tpu.memory_space<vmem>>, vector<1x16xf32>,
      %swap3A_69 = vector.shape_cast %swap3A_68 : vector<1x16xf32> to vector<16xf32>
      %swap3A_70 = vector.shape_cast %broadcast_in_dim3A_5 : vector<16xf32> to vector<1x16xf32>
      tpu.vector_store %arg7[%swap3A_66, %swap3A_67], %swap3A_70 {strides = array<i32>} : memref<64x144xf32, #tpu.memory_space<vmem>>, vector<1x16xf32>,
      %swap3A_71 = arith.index_cast %scan3A_40 : i32 to index
      %swap3A_72 = arith.constant 96 : index
      %swap3A_73 = tpu.vector_load %arg7[%swap3A_71, %swap3A_72] {strides = array<i32>} : memref<64x144xf32, #tpu.memory_space<vmem>>, vector<1x16xf32>,
      %swap3A_74 = vector.shape_cast %swap3A_73 : vector<1x16xf32> to vector<16xf32>
      %swap3A_75 = vector.shape_cast %broadcast_in_dim3A_5 : vector<16xf32> to vector<1x16xf32>
      tpu.vector_store %arg7[%swap3A_71, %swap3A_72], %swap3A_75 {strides = array<i32>} : memref<64x144xf32, #tpu.memory_space<vmem>>, vector<1x16xf32>,
      %swap3A_76 = arith.index_cast %scan3A_40 : i32 to index
      %swap3A_77 = arith.constant 112 : index
      %swap3A_78 = tpu.vector_load %arg7[%swap3A_76, %swap3A_77] {strides = array<i32>} : memref<64x144xf32, #tpu.memory_space<vmem>>, vector<1x16xf32>,
      %swap3A_79 = vector.shape_cast %swap3A_78 : vector<1x16xf32> to vector<16xf32>
      %swap3A_80 = vector.shape_cast %broadcast_in_dim3A_5 : vector<16xf32> to vector<1x16xf32>
      tpu.vector_store %arg7[%swap3A_76, %swap3A_77], %swap3A_80 {strides = array<i32>} : memref<64x144xf32, #tpu.memory_space<vmem>>, vector<1x16xf32>,
      %swap3A_81 = arith.index_cast %scan3A_40 : i32 to index
      %swap3A_82 = arith.constant 128 : index
      %swap3A_83 = tpu.vector_load %arg7[%swap3A_81, %swap3A_82] {strides = array<i32>} : memref<64x144xf32, #tpu.memory_space<vmem>>, vector<1x16xf32>,
      %swap3A_84 = vector.shape_cast %swap3A_83 : vector<1x16xf32> to vector<16xf32>
      %swap3A_85 = vector.shape_cast %broadcast_in_dim3A_5 : vector<16xf32> to vector<1x16xf32>
      tpu.vector_store %arg7[%swap3A_81, %swap3A_82], %swap3A_85 {strides = array<i32>} : memref<64x144xf32, #tpu.memory_space<vmem>>, vector<1x16xf32>,
      %scan3A_86 = arith.constant 0 : i32
      scf.yield %scan3A_86 : i32
    }
    %scan3A_11 = arith.constant 64 : i32
    %mul3A_12 = arith.constant 640 : i32
    %mul3A_13 = arith.muli %arg1, %mul3A_12 : i32
    %scan3A_14 = arith.constant 0 : i32
    %scan3A_15 = arith.constant 0 : i32
    %scan3A_16 = arith.constant 10 : i32
    %scan3A_17 = arith.addi %scan3A_15, %scan3A_16 : i32
    %scan3A_18 = arith.constant 1 : i32
    %scan3A_19 = scf.for %scan3A_40 = %scan3A_15 to %scan3A_17 step %scan3A_18 iter_args(%scan3A_41 = %scan3A_14) -> (i32)  : i32 {
      %mul3A_42 = arith.constant 64 : i32
      %mul3A_43 = arith.muli %scan3A_40, %mul3A_42 : i32
      %add3A_44 = arith.addi %mul3A_13, %mul3A_43 : i32
      "tpu.region"() ({
        %run_scoped3A = tpu.sem_alloc : memref<!tpu.dma_semaphore, #tpu.memory_space<semaphore_mem>>
        %dma_start3A = arith.constant 0 : i32
        %dma_start3A_46 = tpu.memref_slice %arg5[%add3A_44, %dma_start3A] : memref<10240x144xf32, #tpu.memory_space<vmem_shared>> -> memref<64x144xf32, #tpu.memory_space<vmem_shared>>
        %dma_start3A_47 = arith.constant 0 : i32
        %dma_start3A_48 = tpu.memref_slice %arg5[%add3A_44, %dma_start3A_47] : memref<10240x144xf32, #tpu.memory_space<vmem_shared>> -> memref<64x144xf32, #tpu.memory_space<vmem_shared>>
        tpu.enqueue_dma source(%arg7 : memref<64x144xf32, #tpu.memory_space<vmem>>) target(%dma_start3A_48 : memref<64x144xf32, #tpu.memory_space<vmem_shared>>) target_semaphore(%run_scoped3A : memref<!tpu.dma_semaphore, #tpu.memory_space<semaphore_mem>>)
        %dma_wait3A = arith.constant 0 : i32
        %dma_wait3A_49 = tpu.memref_slice %arg5[%add3A_44, %dma_wait3A] : memref<10240x144xf32, #tpu.memory_space<vmem_shared>> -> memref<64x144xf32, #tpu.memory_space<vmem_shared>>
        %dma_wait3A_50 = arith.constant 0 : i32
        %dma_wait3A_51 = tpu.memref_slice %arg5[%add3A_44, %dma_wait3A_50] : memref<10240x144xf32, #tpu.memory_space<vmem_shared>> -> memref<64x144xf32, #tpu.memory_space<vmem_shared>>
        tpu.wait_dma2 semaphore(%run_scoped3A : memref<!tpu.dma_semaphore, #tpu.memory_space<semaphore_mem>>) src(%arg7 : memref<64x144xf32, #tpu.memory_space<vmem>>) dst(%dma_wait3A_51 : memref<64x144xf32, #tpu.memory_space<vmem_shared>>)
        tpu.yield
      }) : () -> ()
      %scan3A_45 = arith.constant 0 : i32
      scf.yield %scan3A_45 : i32
    }
    %scan3A_20 = arith.constant 10 : i32
    %barrier3A = arith.constant 0 : index
    tpu.barrier barrier_id(%barrier3A)
    %while3A = arith.constant 0 : i32
    %while3A_21 = arith.constant 0 : i32
    %while3A_22 = arith.subi %add3A_4, %while3A : i32
    %while3A_23 = arith.addi %while3A, %while3A_22 : i32
    %while3A_24 = arith.constant 1 : i32
    %while3A_25 = arith.divsi %while3A_22, %while3A_24 : i32
    %while3A_26 = arith.muli %while3A_25, %while3A_24 : i32
    %while3A_27 = arith.addi %while3A, %while3A_26 : i32
    %while3A_28 = arith.constant 1 : i32
    %while3A_29 = scf.for %while3A_40 = %while3A to %while3A_27 step %while3A_28 iter_args(%while3A_41 = %while3A_21) -> (i32)  : i32 {
      %mul3A_42 = arith.constant 32 : i32
      %mul3A_43 = arith.muli %while3A_40, %mul3A_42 : i32
      %add3A_44 = arith.addi %mul3A_43, %add3A : i32
      "tpu.region"() ({
        %run_scoped3A = tpu.sem_alloc : memref<!tpu.dma_semaphore, #tpu.memory_space<semaphore_mem>>
        %dma_start3A = arith.constant 0 : i32
        %dma_start3A_46 = tpu.memref_slice %arg3[%add3A_44, %dma_start3A] : memref<5000x64xi32, #tpu.memory_space<hbm>> -> memref<1x64xi32, #tpu.memory_space<hbm>>
        %dma_start3A_47 = tpu.memref_squeeze %dma_start3A_46 : memref<1x64xi32, #tpu.memory_space<hbm>> -> memref<64xi32, #tpu.memory_space<hbm>>
        %dma_start3A_48 = arith.constant 0 : i32
        %dma_start3A_49 = tpu.memref_slice %arg3[%add3A_44, %dma_start3A_48] : memref<5000x64xi32, #tpu.memory_space<hbm>> -> memref<1x64xi32, #tpu.memory_space<hbm>>
        %dma_start3A_50 = tpu.memref_squeeze %dma_start3A_49 : memref<1x64xi32, #tpu.memory_space<hbm>> -> memref<64xi32, #tpu.memory_space<hbm>>
        tpu.enqueue_dma source(%dma_start3A_50 : memref<64xi32, #tpu.memory_space<hbm>>) target(%arg6 : memref<64xi32, #tpu.memory_space<vmem>>) target_semaphore(%run_scoped3A : memref<!tpu.dma_semaphore, #tpu.memory_space<semaphore_mem>>)
        %dma_wait3A = arith.constant 0 : i32
        %dma_wait3A_51 = tpu.memref_slice %arg3[%add3A_44, %dma_wait3A] : memref<5000x64xi32, #tpu.memory_space<hbm>> -> memref<1x64xi32, #tpu.memory_space<hbm>>
        %dma_wait3A_52 = tpu.memref_squeeze %dma_wait3A_51 : memref<1x64xi32, #tpu.memory_space<hbm>> -> memref<64xi32, #tpu.memory_space<hbm>>
        %dma_wait3A_53 = arith.constant 0 : i32
        %dma_wait3A_54 = tpu.memref_slice %arg3[%add3A_44, %dma_wait3A_53] : memref<5000x64xi32, #tpu.memory_space<hbm>> -> memref<1x64xi32, #tpu.memory_space<hbm>>
        %dma_wait3A_55 = tpu.memref_squeeze %dma_wait3A_54 : memref<1x64xi32, #tpu.memory_space<hbm>> -> memref<64xi32, #tpu.memory_space<hbm>>
        tpu.wait_dma2 semaphore(%run_scoped3A : memref<!tpu.dma_semaphore, #tpu.memory_space<semaphore_mem>>) src(%dma_wait3A_55 : memref<64xi32, #tpu.memory_space<hbm>>) dst(%arg6 : memref<64xi32, #tpu.memory_space<vmem>>)
        tpu.yield
      }) : () -> ()
      "tpu.region"() ({
        %run_scoped3A = tpu.sem_alloc : memref<!tpu.dma_semaphore, #tpu.memory_space<semaphore_mem>>
        %dma_start3A = arith.constant 0 : i32
        %dma_start3A_46 = arith.constant 0 : i32
        %dma_start3A_47 = tpu.memref_slice %arg2[%add3A_44, %dma_start3A, %dma_start3A_46] : memref<5000x64x144xf32, #tpu.memory_space<hbm>> -> memref<1x64x144xf32, #tpu.memory_space<hbm>>
        %dma_start3A_48 = tpu.memref_squeeze %dma_start3A_47 : memref<1x64x144xf32, #tpu.memory_space<hbm>> -> memref<64x144xf32, #tpu.memory_space<hbm>>
        %dma_start3A_49 = arith.constant 0 : i32
        %dma_start3A_50 = arith.constant 0 : i32
        %dma_start3A_51 = tpu.memref_slice %arg2[%add3A_44, %dma_start3A_49, %dma_start3A_50] : memref<5000x64x144xf32, #tpu.memory_space<hbm>> -> memref<1x64x144xf32, #tpu.memory_space<hbm>>
        %dma_start3A_52 = tpu.memref_squeeze %dma_start3A_51 : memref<1x64x144xf32, #tpu.memory_space<hbm>> -> memref<64x144xf32, #tpu.memory_space<hbm>>
        tpu.enqueue_dma source(%dma_start3A_52 : memref<64x144xf32, #tpu.memory_space<hbm>>) target(%arg7 : memref<64x144xf32, #tpu.memory_space<vmem>>) target_semaphore(%run_scoped3A : memref<!tpu.dma_semaphore, #tpu.memory_space<semaphore_mem>>)
        %dma_wait3A = arith.constant 0 : i32
        %dma_wait3A_53 = arith.constant 0 : i32
        %dma_wait3A_54 = tpu.memref_slice %arg2[%add3A_44, %dma_wait3A, %dma_wait3A_53] : memref<5000x64x144xf32, #tpu.memory_space<hbm>> -> memref<1x64x144xf32, #tpu.memory_space<hbm>>
        %dma_wait3A_55 = tpu.memref_squeeze %dma_wait3A_54 : memref<1x64x144xf32, #tpu.memory_space<hbm>> -> memref<64x144xf32, #tpu.memory_space<hbm>>
        %dma_wait3A_56 = arith.constant 0 : i32
        %dma_wait3A_57 = arith.constant 0 : i32
        %dma_wait3A_58 = tpu.memref_slice %arg2[%add3A_44, %dma_wait3A_56, %dma_wait3A_57] : memref<5000x64x144xf32, #tpu.memory_space<hbm>> -> memref<1x64x144xf32, #tpu.memory_space<hbm>>
        %dma_wait3A_59 = tpu.memref_squeeze %dma_wait3A_58 : memref<1x64x144xf32, #tpu.memory_space<hbm>> -> memref<64x144xf32, #tpu.memory_space<hbm>>
        tpu.wait_dma2 semaphore(%run_scoped3A : memref<!tpu.dma_semaphore, #tpu.memory_space<semaphore_mem>>) src(%dma_wait3A_59 : memref<64x144xf32, #tpu.memory_space<hbm>>) dst(%arg7 : memref<64x144xf32, #tpu.memory_space<vmem>>)
        tpu.yield
      }) : () -> ()
      "tpu.region"() ({
        %run_scoped3A = tpu.sem_alloc : memref<!tpu.dma_semaphore, #tpu.memory_space<semaphore_mem>>
        %dma_start3A = arith.constant 0 : i32
        %dma_start3A_46 = arith.constant 0 : i32
        %dma_start3A_47 = tpu.memref_slice %arg5[%dma_start3A, %dma_start3A_46] : memref<10240x144xf32, #tpu.memory_space<vmem_shared>> -> memref<10240x144xf32, #tpu.memory_space<vmem_shared>>
        tpu.enqueue_indirect_dma source(%arg7 : memref<64x144xf32, #tpu.memory_space<vmem>>) target(%dma_start3A_47 : memref<10240x144xf32, #tpu.memory_space<vmem_shared>>) offsets(%arg6 : memref<64xi32, #tpu.memory_space<vmem>>) semaphore(%run_scoped3A : memref<!tpu.dma_semaphore, #tpu.memory_space<semaphore_mem>>) {add = true}
        %dma_wait3A = arith.constant 0 : i32
        %dma_wait3A_48 = arith.constant 0 : i32
        %dma_wait3A_49 = tpu.memref_slice %arg5[%dma_wait3A, %dma_wait3A_48] : memref<10240x144xf32, #tpu.memory_space<vmem_shared>> -> memref<10240x144xf32, #tpu.memory_space<vmem_shared>>
        tpu.wait_indirect_dma semaphore(%run_scoped3A : memref<!tpu.dma_semaphore, #tpu.memory_space<semaphore_mem>>) src(%arg7 : memref<64x144xf32, #tpu.memory_space<vmem>>) dst(%dma_wait3A_49 : memref<10240x144xf32, #tpu.memory_space<vmem_shared>>)
        tpu.yield
      }) : () -> ()
      %while3A_45 = arith.constant 0 : i32
      scf.yield %while3A_45 : i32
    }
    %while3A_30 = arith.constant 1 : i32
    %while3A_31 = scf.for %while3A_40 = %while3A_27 to %while3A_23 step %while3A_30 iter_args(%while3A_41 = %while3A_29) -> (i32)  : i32 {
      %mul3A_42 = arith.constant 32 : i32
      %mul3A_43 = arith.muli %while3A_40, %mul3A_42 : i32
      %add3A_44 = arith.addi %mul3A_43, %add3A : i32
      "tpu.region"() ({
        %run_scoped3A = tpu.sem_alloc : memref<!tpu.dma_semaphore, #tpu.memory_space<semaphore_mem>>
        %dma_start3A = arith.constant 0 : i32
        %dma_start3A_46 = tpu.memref_slice %arg3[%add3A_44, %dma_start3A] : memref<5000x64xi32, #tpu.memory_space<hbm>> -> memref<1x64xi32, #tpu.memory_space<hbm>>
        %dma_start3A_47 = tpu.memref_squeeze %dma_start3A_46 : memref<1x64xi32, #tpu.memory_space<hbm>> -> memref<64xi32, #tpu.memory_space<hbm>>
        %dma_start3A_48 = arith.constant 0 : i32
        %dma_start3A_49 = tpu.memref_slice %arg3[%add3A_44, %dma_start3A_48] : memref<5000x64xi32, #tpu.memory_space<hbm>> -> memref<1x64xi32, #tpu.memory_space<hbm>>
        %dma_start3A_50 = tpu.memref_squeeze %dma_start3A_49 : memref<1x64xi32, #tpu.memory_space<hbm>> -> memref<64xi32, #tpu.memory_space<hbm>>
        tpu.enqueue_dma source(%dma_start3A_50 : memref<64xi32, #tpu.memory_space<hbm>>) target(%arg6 : memref<64xi32, #tpu.memory_space<vmem>>) target_semaphore(%run_scoped3A : memref<!tpu.dma_semaphore, #tpu.memory_space<semaphore_mem>>)
        %dma_wait3A = arith.constant 0 : i32
        %dma_wait3A_51 = tpu.memref_slice %arg3[%add3A_44, %dma_wait3A] : memref<5000x64xi32, #tpu.memory_space<hbm>> -> memref<1x64xi32, #tpu.memory_space<hbm>>
        %dma_wait3A_52 = tpu.memref_squeeze %dma_wait3A_51 : memref<1x64xi32, #tpu.memory_space<hbm>> -> memref<64xi32, #tpu.memory_space<hbm>>
        %dma_wait3A_53 = arith.constant 0 : i32
        %dma_wait3A_54 = tpu.memref_slice %arg3[%add3A_44, %dma_wait3A_53] : memref<5000x64xi32, #tpu.memory_space<hbm>> -> memref<1x64xi32, #tpu.memory_space<hbm>>
        %dma_wait3A_55 = tpu.memref_squeeze %dma_wait3A_54 : memref<1x64xi32, #tpu.memory_space<hbm>> -> memref<64xi32, #tpu.memory_space<hbm>>
        tpu.wait_dma2 semaphore(%run_scoped3A : memref<!tpu.dma_semaphore, #tpu.memory_space<semaphore_mem>>) src(%dma_wait3A_55 : memref<64xi32, #tpu.memory_space<hbm>>) dst(%arg6 : memref<64xi32, #tpu.memory_space<vmem>>)
        tpu.yield
      }) : () -> ()
      "tpu.region"() ({
        %run_scoped3A = tpu.sem_alloc : memref<!tpu.dma_semaphore, #tpu.memory_space<semaphore_mem>>
        %dma_start3A = arith.constant 0 : i32
        %dma_start3A_46 = arith.constant 0 : i32
        %dma_start3A_47 = tpu.memref_slice %arg2[%add3A_44, %dma_start3A, %dma_start3A_46] : memref<5000x64x144xf32, #tpu.memory_space<hbm>> -> memref<1x64x144xf32, #tpu.memory_space<hbm>>
        %dma_start3A_48 = tpu.memref_squeeze %dma_start3A_47 : memref<1x64x144xf32, #tpu.memory_space<hbm>> -> memref<64x144xf32, #tpu.memory_space<hbm>>
        %dma_start3A_49 = arith.constant 0 : i32
        %dma_start3A_50 = arith.constant 0 : i32
        %dma_start3A_51 = tpu.memref_slice %arg2[%add3A_44, %dma_start3A_49, %dma_start3A_50] : memref<5000x64x144xf32, #tpu.memory_space<hbm>> -> memref<1x64x144xf32, #tpu.memory_space<hbm>>
        %dma_start3A_52 = tpu.memref_squeeze %dma_start3A_51 : memref<1x64x144xf32, #tpu.memory_space<hbm>> -> memref<64x144xf32, #tpu.memory_space<hbm>>
        tpu.enqueue_dma source(%dma_start3A_52 : memref<64x144xf32, #tpu.memory_space<hbm>>) target(%arg7 : memref<64x144xf32, #tpu.memory_space<vmem>>) target_semaphore(%run_scoped3A : memref<!tpu.dma_semaphore, #tpu.memory_space<semaphore_mem>>)
        %dma_wait3A = arith.constant 0 : i32
        %dma_wait3A_53 = arith.constant 0 : i32
        %dma_wait3A_54 = tpu.memref_slice %arg2[%add3A_44, %dma_wait3A, %dma_wait3A_53] : memref<5000x64x144xf32, #tpu.memory_space<hbm>> -> memref<1x64x144xf32, #tpu.memory_space<hbm>>
        %dma_wait3A_55 = tpu.memref_squeeze %dma_wait3A_54 : memref<1x64x144xf32, #tpu.memory_space<hbm>> -> memref<64x144xf32, #tpu.memory_space<hbm>>
        %dma_wait3A_56 = arith.constant 0 : i32
        %dma_wait3A_57 = arith.constant 0 : i32
        %dma_wait3A_58 = tpu.memref_slice %arg2[%add3A_44, %dma_wait3A_56, %dma_wait3A_57] : memref<5000x64x144xf32, #tpu.memory_space<hbm>> -> memref<1x64x144xf32, #tpu.memory_space<hbm>>
        %dma_wait3A_59 = tpu.memref_squeeze %dma_wait3A_58 : memref<1x64x144xf32, #tpu.memory_space<hbm>> -> memref<64x144xf32, #tpu.memory_space<hbm>>
        tpu.wait_dma2 semaphore(%run_scoped3A : memref<!tpu.dma_semaphore, #tpu.memory_space<semaphore_mem>>) src(%dma_wait3A_59 : memref<64x144xf32, #tpu.memory_space<hbm>>) dst(%arg7 : memref<64x144xf32, #tpu.memory_space<vmem>>)
        tpu.yield
      }) : () -> ()
      "tpu.region"() ({
        %run_scoped3A = tpu.sem_alloc : memref<!tpu.dma_semaphore, #tpu.memory_space<semaphore_mem>>
        %dma_start3A = arith.constant 0 : i32
        %dma_start3A_46 = arith.constant 0 : i32
        %dma_start3A_47 = tpu.memref_slice %arg5[%dma_start3A, %dma_start3A_46] : memref<10240x144xf32, #tpu.memory_space<vmem_shared>> -> memref<10240x144xf32, #tpu.memory_space<vmem_shared>>
        tpu.enqueue_indirect_dma source(%arg7 : memref<64x144xf32, #tpu.memory_space<vmem>>) target(%dma_start3A_47 : memref<10240x144xf32, #tpu.memory_space<vmem_shared>>) offsets(%arg6 : memref<64xi32, #tpu.memory_space<vmem>>) semaphore(%run_scoped3A : memref<!tpu.dma_semaphore, #tpu.memory_space<semaphore_mem>>) {add = true}
        %dma_wait3A = arith.constant 0 : i32
        %dma_wait3A_48 = arith.constant 0 : i32
        %dma_wait3A_49 = tpu.memref_slice %arg5[%dma_wait3A, %dma_wait3A_48] : memref<10240x144xf32, #tpu.memory_space<vmem_shared>> -> memref<10240x144xf32, #tpu.memory_space<vmem_shared>>
        tpu.wait_indirect_dma semaphore(%run_scoped3A : memref<!tpu.dma_semaphore, #tpu.memory_space<semaphore_mem>>) src(%arg7 : memref<64x144xf32, #tpu.memory_space<vmem>>) dst(%dma_wait3A_49 : memref<10240x144xf32, #tpu.memory_space<vmem_shared>>)
        tpu.yield
      }) : () -> ()
      %while3A_45 = arith.constant 0 : i32
      scf.yield %while3A_45 : i32
    }
    %barrier3A_32 = arith.constant 0 : index
    tpu.barrier barrier_id(%barrier3A_32)
    %scan3A_33 = arith.constant 0 : i32
    %scan3A_34 = arith.constant 0 : i32
    %scan3A_35 = arith.constant 10 : i32
    %scan3A_36 = arith.addi %scan3A_34, %scan3A_35 : i32
    %scan3A_37 = arith.constant 1 : i32
    %scan3A_38 = scf.for %scan3A_40 = %scan3A_34 to %scan3A_36 step %scan3A_37 iter_args(%scan3A_41 = %scan3A_33) -> (i32)  : i32 {
      %mul3A_42 = arith.constant 64 : i32
      %mul3A_43 = arith.muli %scan3A_40, %mul3A_42 : i32
      %add3A_44 = arith.addi %mul3A_13, %mul3A_43 : i32
      "tpu.region"() ({
        %run_scoped3A = tpu.sem_alloc : memref<!tpu.dma_semaphore, #tpu.memory_space<semaphore_mem>>
        %dma_start3A = arith.constant 0 : i32
        %dma_start3A_46 = tpu.memref_slice %arg5[%add3A_44, %dma_start3A] : memref<10240x144xf32, #tpu.memory_space<vmem_shared>> -> memref<64x144xf32, #tpu.memory_space<vmem_shared>>
        %dma_start3A_47 = arith.constant 0 : i32
        %dma_start3A_48 = tpu.memref_slice %arg5[%add3A_44, %dma_start3A_47] : memref<10240x144xf32, #tpu.memory_space<vmem_shared>> -> memref<64x144xf32, #tpu.memory_space<vmem_shared>>
        tpu.enqueue_dma source(%dma_start3A_48 : memref<64x144xf32, #tpu.memory_space<vmem_shared>>) target(%arg7 : memref<64x144xf32, #tpu.memory_space<vmem>>) target_semaphore(%run_scoped3A : memref<!tpu.dma_semaphore, #tpu.memory_space<semaphore_mem>>)
        %dma_wait3A = arith.constant 0 : i32
        %dma_wait3A_49 = tpu.memref_slice %arg5[%add3A_44, %dma_wait3A] : memref<10240x144xf32, #tpu.memory_space<vmem_shared>> -> memref<64x144xf32, #tpu.memory_space<vmem_shared>>
        %dma_wait3A_50 = arith.constant 0 : i32
        %dma_wait3A_51 = tpu.memref_slice %arg5[%add3A_44, %dma_wait3A_50] : memref<10240x144xf32, #tpu.memory_space<vmem_shared>> -> memref<64x144xf32, #tpu.memory_space<vmem_shared>>
        tpu.wait_dma2 semaphore(%run_scoped3A : memref<!tpu.dma_semaphore, #tpu.memory_space<semaphore_mem>>) src(%dma_wait3A_51 : memref<64x144xf32, #tpu.memory_space<vmem_shared>>) dst(%arg7 : memref<64x144xf32, #tpu.memory_space<vmem>>)
        tpu.yield
      }) : () -> ()
      "tpu.region"() ({
        %run_scoped3A = tpu.sem_alloc : memref<!tpu.dma_semaphore, #tpu.memory_space<semaphore_mem>>
        %dma_start3A = arith.constant 0 : i32
        %dma_start3A_46 = tpu.memref_slice %arg4[%arg0, %add3A_44, %dma_start3A] : memref<2x10240x144xf32, #tpu.memory_space<hbm>> -> memref<1x64x144xf32, #tpu.memory_space<hbm>>
        %dma_start3A_47 = tpu.memref_squeeze %dma_start3A_46 : memref<1x64x144xf32, #tpu.memory_space<hbm>> -> memref<64x144xf32, #tpu.memory_space<hbm>>
        %dma_start3A_48 = arith.constant 0 : i32
        %dma_start3A_49 = tpu.memref_slice %arg4[%arg0, %add3A_44, %dma_start3A_48] : memref<2x10240x144xf32, #tpu.memory_space<hbm>> -> memref<1x64x144xf32, #tpu.memory_space<hbm>>
        %dma_start3A_50 = tpu.memref_squeeze %dma_start3A_49 : memref<1x64x144xf32, #tpu.memory_space<hbm>> -> memref<64x144xf32, #tpu.memory_space<hbm>>
        tpu.enqueue_dma source(%arg7 : memref<64x144xf32, #tpu.memory_space<vmem>>) target(%dma_start3A_50 : memref<64x144xf32, #tpu.memory_space<hbm>>) target_semaphore(%run_scoped3A : memref<!tpu.dma_semaphore, #tpu.memory_space<semaphore_mem>>)
        %dma_wait3A = arith.constant 0 : i32
        %dma_wait3A_51 = tpu.memref_slice %arg4[%arg0, %add3A_44, %dma_wait3A] : memref<2x10240x144xf32, #tpu.memory_space<hbm>> -> memref<1x64x144xf32, #tpu.memory_space<hbm>>
        %dma_wait3A_52 = tpu.memref_squeeze %dma_wait3A_51 : memref<1x64x144xf32, #tpu.memory_space<hbm>> -> memref<64x144xf32, #tpu.memory_space<hbm>>
        %dma_wait3A_53 = arith.constant 0 : i32
        %dma_wait3A_54 = tpu.memref_slice %arg4[%arg0, %add3A_44, %dma_wait3A_53] : memref<2x10240x144xf32, #tpu.memory_space<hbm>> -> memref<1x64x144xf32, #tpu.memory_space<hbm>>
        %dma_wait3A_55 = tpu.memref_squeeze %dma_wait3A_54 : memref<1x64x144xf32, #tpu.memory_space<hbm>> -> memref<64x144xf32, #tpu.memory_space<hbm>>
        tpu.wait_dma2 semaphore(%run_scoped3A : memref<!tpu.dma_semaphore, #tpu.memory_space<semaphore_mem>>) src(%arg7 : memref<64x144xf32, #tpu.memory_space<vmem>>) dst(%dma_wait3A_55 : memref<64x144xf32, #tpu.memory_space<hbm>>)
        tpu.yield
      }) : () -> ()
      %scan3A_45 = arith.constant 0 : i32
      scf.yield %scan3A_45 : i32
    }
    %scan3A_39 = arith.constant 10 : i32
    return
  }
}

#map = affine_map<(d0, d1) -> (0, 0)>
#map1 = affine_map<(d0, d1) -> (0)>
#map2 = affine_map<(d0, d1) -> (0, 0, 0)>
module attributes {stable_mosaic.version = 14 : i64} {
  func.func @_sc_gather_body(%arg0: i32, %arg1: i32, %arg2: memref<10000x128xf32, #tpu.memory_space<hbm>>, %arg3: memref<10000x128xf32, #tpu.memory_space<hbm>>, %arg4: memref<160000x128xf32, #tpu.memory_space<hbm>>, %arg5: memref<160000xi32, #tpu.memory_space<hbm>>, %arg6: memref<160000xi32, #tpu.memory_space<hbm>>, %arg7: memref<160000x128xf32, #tpu.memory_space<hbm>>, %arg8: memref<32x8x128xf32, #tpu.memory_space<hbm>>, %arg9: memref<64xi32, #tpu.memory_space<vmem>>, %arg10: memref<64xi32, #tpu.memory_space<vmem>>, %arg11: memref<64x128xf32, #tpu.memory_space<vmem>>, %arg12: memref<64x128xf32, #tpu.memory_space<vmem>>, %arg13: memref<64x128xf32, #tpu.memory_space<vmem>>, %arg14: memref<8x128xf32, #tpu.memory_space<vmem>>, %arg15: memref<!tpu.dma_semaphore, #tpu.memory_space<semaphore_mem>>) attributes {dimension_semantics = [#tpu.dimension_semantics<core_parallel>, #tpu.dimension_semantics<subcore_parallel>], iteration_bounds = array<i64: 2, 16>, scalar_prefetch = 0 : i64, scratch_operands = 7 : i64, tpu.core_type = #tpu.core_type<sc_vector_subcore>, window_params = [{transform_indices = #map}, {transform_indices = #map}, {transform_indices = #map}, {transform_indices = #map1}, {transform_indices = #map1}, {transform_indices = #map}, {transform_indices = #map2}]} {
    %mul3A = arith.constant 16 : i32
    %mul3A_0 = arith.muli %arg0, %mul3A : i32
    %add3A = arith.addi %mul3A_0, %arg1 : i32
    %lt3A = arith.constant 4 : i32
    %lt3A_1 = arith.cmpi slt, %add3A, %lt3A : i32
    %jit3A = arith.constant 1 : i32
    %jit3A_2 = arith.constant 0 : i32
    %select_n3A = arith.select %lt3A_1, %jit3A, %jit3A_2 : i32
    %add3A_3 = arith.constant 78 : i32
    %add3A_4 = arith.addi %add3A_3, %select_n3A : i32
    %broadcast_in_dim3A = arith.constant 0.000000e+00 : f32
    %broadcast_in_dim3A_5 = vector.broadcast %broadcast_in_dim3A : f32 to vector<16xf32>
    %while3A = arith.constant 0 : i32
    %while3A_6 = arith.subi %add3A_4, %while3A : i32
    %while3A_7 = arith.addi %while3A, %while3A_6 : i32
    %while3A_8 = arith.constant 1 : i32
    %while3A_9 = arith.divsi %while3A_6, %while3A_8 : i32
    %while3A_10 = arith.muli %while3A_9, %while3A_8 : i32
    %while3A_11 = arith.addi %while3A, %while3A_10 : i32
    %while3A_12 = arith.constant 1 : i32
    %while3A_13:16 = scf.for %while3A_111 = %while3A to %while3A_11 step %while3A_12 iter_args(%while3A_112 = %broadcast_in_dim3A_5, %while3A_113 = %broadcast_in_dim3A_5, %while3A_114 = %broadcast_in_dim3A_5, %while3A_115 = %broadcast_in_dim3A_5, %while3A_116 = %broadcast_in_dim3A_5, %while3A_117 = %broadcast_in_dim3A_5, %while3A_118 = %broadcast_in_dim3A_5, %while3A_119 = %broadcast_in_dim3A_5, %while3A_120 = %broadcast_in_dim3A_5, %while3A_121 = %broadcast_in_dim3A_5, %while3A_122 = %broadcast_in_dim3A_5, %while3A_123 = %broadcast_in_dim3A_5, %while3A_124 = %broadcast_in_dim3A_5, %while3A_125 = %broadcast_in_dim3A_5, %while3A_126 = %broadcast_in_dim3A_5, %while3A_127 = %broadcast_in_dim3A_5) -> (vector<16xf32>, vector<16xf32>, vector<16xf32>, vector<16xf32>, vector<16xf32>, vector<16xf32>, vector<16xf32>, vector<16xf32>, vector<16xf32>, vector<16xf32>, vector<16xf32>, vector<16xf32>, vector<16xf32>, vector<16xf32>, vector<16xf32>, vector<16xf32>)  : i32 {
      %mul3A_128 = arith.constant 32 : i32
      %mul3A_129 = arith.muli %while3A_111, %mul3A_128 : i32
      %add3A_130 = arith.addi %mul3A_129, %add3A : i32
      %mul3A_131 = arith.constant 64 : i32
      %mul3A_132 = arith.muli %add3A_130, %mul3A_131 : i32
      "tpu.region"() ({
        %run_scoped3A = tpu.sem_alloc : memref<!tpu.dma_semaphore, #tpu.memory_space<semaphore_mem>>
        %dma_start3A_148 = tpu.memref_slice %arg5[%mul3A_132] : memref<160000xi32, #tpu.memory_space<hbm>> -> memref<64xi32, #tpu.memory_space<hbm>>
        %dma_start3A_149 = tpu.memref_slice %arg5[%mul3A_132] : memref<160000xi32, #tpu.memory_space<hbm>> -> memref<64xi32, #tpu.memory_space<hbm>>
        tpu.enqueue_dma source(%dma_start3A_149 : memref<64xi32, #tpu.memory_space<hbm>>) target(%arg9 : memref<64xi32, #tpu.memory_space<vmem>>) target_semaphore(%run_scoped3A : memref<!tpu.dma_semaphore, #tpu.memory_space<semaphore_mem>>)
        %dma_wait3A_150 = tpu.memref_slice %arg5[%mul3A_132] : memref<160000xi32, #tpu.memory_space<hbm>> -> memref<64xi32, #tpu.memory_space<hbm>>
        %dma_wait3A_151 = tpu.memref_slice %arg5[%mul3A_132] : memref<160000xi32, #tpu.memory_space<hbm>> -> memref<64xi32, #tpu.memory_space<hbm>>
        tpu.wait_dma2 semaphore(%run_scoped3A : memref<!tpu.dma_semaphore, #tpu.memory_space<semaphore_mem>>) src(%dma_wait3A_151 : memref<64xi32, #tpu.memory_space<hbm>>) dst(%arg9 : memref<64xi32, #tpu.memory_space<vmem>>)
        tpu.yield
      }) : () -> ()
      "tpu.region"() ({
        %run_scoped3A = tpu.sem_alloc : memref<!tpu.dma_semaphore, #tpu.memory_space<semaphore_mem>>
        %dma_start3A_148 = tpu.memref_slice %arg6[%mul3A_132] : memref<160000xi32, #tpu.memory_space<hbm>> -> memref<64xi32, #tpu.memory_space<hbm>>
        %dma_start3A_149 = tpu.memref_slice %arg6[%mul3A_132] : memref<160000xi32, #tpu.memory_space<hbm>> -> memref<64xi32, #tpu.memory_space<hbm>>
        tpu.enqueue_dma source(%dma_start3A_149 : memref<64xi32, #tpu.memory_space<hbm>>) target(%arg10 : memref<64xi32, #tpu.memory_space<vmem>>) target_semaphore(%run_scoped3A : memref<!tpu.dma_semaphore, #tpu.memory_space<semaphore_mem>>)
        %dma_wait3A_150 = tpu.memref_slice %arg6[%mul3A_132] : memref<160000xi32, #tpu.memory_space<hbm>> -> memref<64xi32, #tpu.memory_space<hbm>>
        %dma_wait3A_151 = tpu.memref_slice %arg6[%mul3A_132] : memref<160000xi32, #tpu.memory_space<hbm>> -> memref<64xi32, #tpu.memory_space<hbm>>
        tpu.wait_dma2 semaphore(%run_scoped3A : memref<!tpu.dma_semaphore, #tpu.memory_space<semaphore_mem>>) src(%dma_wait3A_151 : memref<64xi32, #tpu.memory_space<hbm>>) dst(%arg10 : memref<64xi32, #tpu.memory_space<vmem>>)
        tpu.yield
      }) : () -> ()
      %dma_start3A = arith.constant 0 : i32
      %dma_start3A_133 = arith.constant 0 : i32
      %dma_start3A_134 = tpu.memref_slice %arg2[%dma_start3A, %dma_start3A_133] : memref<10000x128xf32, #tpu.memory_space<hbm>> -> memref<10000x128xf32, #tpu.memory_space<hbm>>
      tpu.enqueue_indirect_dma source(%dma_start3A_134 : memref<10000x128xf32, #tpu.memory_space<hbm>>) target(%arg11 : memref<64x128xf32, #tpu.memory_space<vmem>>) offsets(%arg9 : memref<64xi32, #tpu.memory_space<vmem>>) semaphore(%arg15 : memref<!tpu.dma_semaphore, #tpu.memory_space<semaphore_mem>>)
      %dma_start3A_135 = arith.constant 0 : i32
      %dma_start3A_136 = arith.constant 0 : i32
      %dma_start3A_137 = tpu.memref_slice %arg3[%dma_start3A_135, %dma_start3A_136] : memref<10000x128xf32, #tpu.memory_space<hbm>> -> memref<10000x128xf32, #tpu.memory_space<hbm>>
      tpu.enqueue_indirect_dma source(%dma_start3A_137 : memref<10000x128xf32, #tpu.memory_space<hbm>>) target(%arg12 : memref<64x128xf32, #tpu.memory_space<vmem>>) offsets(%arg10 : memref<64xi32, #tpu.memory_space<vmem>>) semaphore(%arg15 : memref<!tpu.dma_semaphore, #tpu.memory_space<semaphore_mem>>)
      "tpu.region"() ({
        %run_scoped3A = tpu.sem_alloc : memref<!tpu.dma_semaphore, #tpu.memory_space<semaphore_mem>>
        %dma_start3A_148 = arith.constant 0 : i32
        %dma_start3A_149 = tpu.memref_slice %arg4[%mul3A_132, %dma_start3A_148] : memref<160000x128xf32, #tpu.memory_space<hbm>> -> memref<64x128xf32, #tpu.memory_space<hbm>>
        %dma_start3A_150 = arith.constant 0 : i32
        %dma_start3A_151 = tpu.memref_slice %arg4[%mul3A_132, %dma_start3A_150] : memref<160000x128xf32, #tpu.memory_space<hbm>> -> memref<64x128xf32, #tpu.memory_space<hbm>>
        tpu.enqueue_dma source(%dma_start3A_151 : memref<64x128xf32, #tpu.memory_space<hbm>>) target(%arg13 : memref<64x128xf32, #tpu.memory_space<vmem>>) target_semaphore(%run_scoped3A : memref<!tpu.dma_semaphore, #tpu.memory_space<semaphore_mem>>)
        %dma_wait3A_152 = arith.constant 0 : i32
        %dma_wait3A_153 = tpu.memref_slice %arg4[%mul3A_132, %dma_wait3A_152] : memref<160000x128xf32, #tpu.memory_space<hbm>> -> memref<64x128xf32, #tpu.memory_space<hbm>>
        %dma_wait3A_154 = arith.constant 0 : i32
        %dma_wait3A_155 = tpu.memref_slice %arg4[%mul3A_132, %dma_wait3A_154] : memref<160000x128xf32, #tpu.memory_space<hbm>> -> memref<64x128xf32, #tpu.memory_space<hbm>>
        tpu.wait_dma2 semaphore(%run_scoped3A : memref<!tpu.dma_semaphore, #tpu.memory_space<semaphore_mem>>) src(%dma_wait3A_155 : memref<64x128xf32, #tpu.memory_space<hbm>>) dst(%arg13 : memref<64x128xf32, #tpu.memory_space<vmem>>)
        tpu.yield
      }) : () -> ()
      %dma_wait3A = arith.constant 0 : i32
      %dma_wait3A_138 = arith.constant 0 : i32
      %dma_wait3A_139 = tpu.memref_slice %arg2[%dma_wait3A, %dma_wait3A_138] : memref<10000x128xf32, #tpu.memory_space<hbm>> -> memref<10000x128xf32, #tpu.memory_space<hbm>>
      tpu.wait_indirect_dma semaphore(%arg15 : memref<!tpu.dma_semaphore, #tpu.memory_space<semaphore_mem>>) src(%dma_wait3A_139 : memref<10000x128xf32, #tpu.memory_space<hbm>>) dst(%arg11 : memref<64x128xf32, #tpu.memory_space<vmem>>)
      %dma_wait3A_140 = arith.constant 0 : i32
      %dma_wait3A_141 = arith.constant 0 : i32
      %dma_wait3A_142 = tpu.memref_slice %arg3[%dma_wait3A_140, %dma_wait3A_141] : memref<10000x128xf32, #tpu.memory_space<hbm>> -> memref<10000x128xf32, #tpu.memory_space<hbm>>
      tpu.wait_indirect_dma semaphore(%arg15 : memref<!tpu.dma_semaphore, #tpu.memory_space<semaphore_mem>>) src(%dma_wait3A_142 : memref<10000x128xf32, #tpu.memory_space<hbm>>) dst(%arg12 : memref<64x128xf32, #tpu.memory_space<vmem>>)
      %scan3A = arith.constant 0 : i32
      %scan3A_143 = arith.constant 64 : i32
      %scan3A_144 = arith.addi %scan3A, %scan3A_143 : i32
      %scan3A_145 = arith.constant 1 : i32
      %scan3A_146:16 = scf.for %scan3A_148 = %scan3A to %scan3A_144 step %scan3A_145 iter_args(%scan3A_149 = %while3A_112, %scan3A_150 = %while3A_113, %scan3A_151 = %while3A_114, %scan3A_152 = %while3A_115, %scan3A_153 = %while3A_116, %scan3A_154 = %while3A_117, %scan3A_155 = %while3A_118, %scan3A_156 = %while3A_119, %scan3A_157 = %while3A_120, %scan3A_158 = %while3A_121, %scan3A_159 = %while3A_122, %scan3A_160 = %while3A_123, %scan3A_161 = %while3A_124, %scan3A_162 = %while3A_125, %scan3A_163 = %while3A_126, %scan3A_164 = %while3A_127) -> (vector<16xf32>, vector<16xf32>, vector<16xf32>, vector<16xf32>, vector<16xf32>, vector<16xf32>, vector<16xf32>, vector<16xf32>, vector<16xf32>, vector<16xf32>, vector<16xf32>, vector<16xf32>, vector<16xf32>, vector<16xf32>, vector<16xf32>, vector<16xf32>)  : i32 {
        %get3A = arith.index_cast %scan3A_148 : i32 to index
        %get3A_165 = arith.constant 0 : index
        %get3A_166 = tpu.vector_load %arg11[%get3A, %get3A_165] {strides = array<i32>} : memref<64x128xf32, #tpu.memory_space<vmem>>, vector<1x16xf32>,
        %get3A_167 = vector.shape_cast %get3A_166 : vector<1x16xf32> to vector<16xf32>
        %get3A_168 = arith.index_cast %scan3A_148 : i32 to index
        %get3A_169 = arith.constant 0 : index
        %get3A_170 = tpu.vector_load %arg12[%get3A_168, %get3A_169] {strides = array<i32>} : memref<64x128xf32, #tpu.memory_space<vmem>>, vector<1x16xf32>,
        %get3A_171 = vector.shape_cast %get3A_170 : vector<1x16xf32> to vector<16xf32>
        %add3A_172 = arith.addf %get3A_167, %get3A_171 : vector<16xf32>
        %get3A_173 = arith.index_cast %scan3A_148 : i32 to index
        %get3A_174 = arith.constant 0 : index
        %get3A_175 = tpu.vector_load %arg13[%get3A_173, %get3A_174] {strides = array<i32>} : memref<64x128xf32, #tpu.memory_space<vmem>>, vector<1x16xf32>,
        %get3A_176 = vector.shape_cast %get3A_175 : vector<1x16xf32> to vector<16xf32>
        %add3A_177 = arith.addf %add3A_172, %get3A_176 : vector<16xf32>
        %swap3A_178 = arith.index_cast %scan3A_148 : i32 to index
        %swap3A_179 = arith.constant 0 : index
        %swap3A_180 = tpu.vector_load %arg13[%swap3A_178, %swap3A_179] {strides = array<i32>} : memref<64x128xf32, #tpu.memory_space<vmem>>, vector<1x16xf32>,
        %swap3A_181 = vector.shape_cast %swap3A_180 : vector<1x16xf32> to vector<16xf32>
        %swap3A_182 = vector.shape_cast %add3A_177 : vector<16xf32> to vector<1x16xf32>
        tpu.vector_store %arg13[%swap3A_178, %swap3A_179], %swap3A_182 {strides = array<i32>} : memref<64x128xf32, #tpu.memory_space<vmem>>, vector<1x16xf32>,
        %add3A_183 = arith.addf %scan3A_149, %add3A_177 : vector<16xf32>
        %mul3A_184 = arith.mulf %add3A_177, %add3A_177 : vector<16xf32>
        %add3A_185 = arith.addf %scan3A_157, %mul3A_184 : vector<16xf32>
        %get3A_186 = arith.index_cast %scan3A_148 : i32 to index
        %get3A_187 = arith.constant 16 : index
        %get3A_188 = tpu.vector_load %arg11[%get3A_186, %get3A_187] {strides = array<i32>} : memref<64x128xf32, #tpu.memory_space<vmem>>, vector<1x16xf32>,
        %get3A_189 = vector.shape_cast %get3A_188 : vector<1x16xf32> to vector<16xf32>
        %get3A_190 = arith.index_cast %scan3A_148 : i32 to index
        %get3A_191 = arith.constant 16 : index
        %get3A_192 = tpu.vector_load %arg12[%get3A_190, %get3A_191] {strides = array<i32>} : memref<64x128xf32, #tpu.memory_space<vmem>>, vector<1x16xf32>,
        %get3A_193 = vector.shape_cast %get3A_192 : vector<1x16xf32> to vector<16xf32>
        %add3A_194 = arith.addf %get3A_189, %get3A_193 : vector<16xf32>
        %get3A_195 = arith.index_cast %scan3A_148 : i32 to index
        %get3A_196 = arith.constant 16 : index
        %get3A_197 = tpu.vector_load %arg13[%get3A_195, %get3A_196] {strides = array<i32>} : memref<64x128xf32, #tpu.memory_space<vmem>>, vector<1x16xf32>,
        %get3A_198 = vector.shape_cast %get3A_197 : vector<1x16xf32> to vector<16xf32>
        %add3A_199 = arith.addf %add3A_194, %get3A_198 : vector<16xf32>
        %swap3A_200 = arith.index_cast %scan3A_148 : i32 to index
        %swap3A_201 = arith.constant 16 : index
        %swap3A_202 = tpu.vector_load %arg13[%swap3A_200, %swap3A_201] {strides = array<i32>} : memref<64x128xf32, #tpu.memory_space<vmem>>, vector<1x16xf32>,
        %swap3A_203 = vector.shape_cast %swap3A_202 : vector<1x16xf32> to vector<16xf32>
        %swap3A_204 = vector.shape_cast %add3A_199 : vector<16xf32> to vector<1x16xf32>
        tpu.vector_store %arg13[%swap3A_200, %swap3A_201], %swap3A_204 {strides = array<i32>} : memref<64x128xf32, #tpu.memory_space<vmem>>, vector<1x16xf32>,
        %add3A_205 = arith.addf %scan3A_150, %add3A_199 : vector<16xf32>
        %mul3A_206 = arith.mulf %add3A_199, %add3A_199 : vector<16xf32>
        %add3A_207 = arith.addf %scan3A_158, %mul3A_206 : vector<16xf32>
        %get3A_208 = arith.index_cast %scan3A_148 : i32 to index
        %get3A_209 = arith.constant 32 : index
        %get3A_210 = tpu.vector_load %arg11[%get3A_208, %get3A_209] {strides = array<i32>} : memref<64x128xf32, #tpu.memory_space<vmem>>, vector<1x16xf32>,
        %get3A_211 = vector.shape_cast %get3A_210 : vector<1x16xf32> to vector<16xf32>
        %get3A_212 = arith.index_cast %scan3A_148 : i32 to index
        %get3A_213 = arith.constant 32 : index
        %get3A_214 = tpu.vector_load %arg12[%get3A_212, %get3A_213] {strides = array<i32>} : memref<64x128xf32, #tpu.memory_space<vmem>>, vector<1x16xf32>,
        %get3A_215 = vector.shape_cast %get3A_214 : vector<1x16xf32> to vector<16xf32>
        %add3A_216 = arith.addf %get3A_211, %get3A_215 : vector<16xf32>
        %get3A_217 = arith.index_cast %scan3A_148 : i32 to index
        %get3A_218 = arith.constant 32 : index
        %get3A_219 = tpu.vector_load %arg13[%get3A_217, %get3A_218] {strides = array<i32>} : memref<64x128xf32, #tpu.memory_space<vmem>>, vector<1x16xf32>,
        %get3A_220 = vector.shape_cast %get3A_219 : vector<1x16xf32> to vector<16xf32>
        %add3A_221 = arith.addf %add3A_216, %get3A_220 : vector<16xf32>
        %swap3A_222 = arith.index_cast %scan3A_148 : i32 to index
        %swap3A_223 = arith.constant 32 : index
        %swap3A_224 = tpu.vector_load %arg13[%swap3A_222, %swap3A_223] {strides = array<i32>} : memref<64x128xf32, #tpu.memory_space<vmem>>, vector<1x16xf32>,
        %swap3A_225 = vector.shape_cast %swap3A_224 : vector<1x16xf32> to vector<16xf32>
        %swap3A_226 = vector.shape_cast %add3A_221 : vector<16xf32> to vector<1x16xf32>
        tpu.vector_store %arg13[%swap3A_222, %swap3A_223], %swap3A_226 {strides = array<i32>} : memref<64x128xf32, #tpu.memory_space<vmem>>, vector<1x16xf32>,
        %add3A_227 = arith.addf %scan3A_151, %add3A_221 : vector<16xf32>
        %mul3A_228 = arith.mulf %add3A_221, %add3A_221 : vector<16xf32>
        %add3A_229 = arith.addf %scan3A_159, %mul3A_228 : vector<16xf32>
        %get3A_230 = arith.index_cast %scan3A_148 : i32 to index
        %get3A_231 = arith.constant 48 : index
        %get3A_232 = tpu.vector_load %arg11[%get3A_230, %get3A_231] {strides = array<i32>} : memref<64x128xf32, #tpu.memory_space<vmem>>, vector<1x16xf32>,
        %get3A_233 = vector.shape_cast %get3A_232 : vector<1x16xf32> to vector<16xf32>
        %get3A_234 = arith.index_cast %scan3A_148 : i32 to index
        %get3A_235 = arith.constant 48 : index
        %get3A_236 = tpu.vector_load %arg12[%get3A_234, %get3A_235] {strides = array<i32>} : memref<64x128xf32, #tpu.memory_space<vmem>>, vector<1x16xf32>,
        %get3A_237 = vector.shape_cast %get3A_236 : vector<1x16xf32> to vector<16xf32>
        %add3A_238 = arith.addf %get3A_233, %get3A_237 : vector<16xf32>
        %get3A_239 = arith.index_cast %scan3A_148 : i32 to index
        %get3A_240 = arith.constant 48 : index
        %get3A_241 = tpu.vector_load %arg13[%get3A_239, %get3A_240] {strides = array<i32>} : memref<64x128xf32, #tpu.memory_space<vmem>>, vector<1x16xf32>,
        %get3A_242 = vector.shape_cast %get3A_241 : vector<1x16xf32> to vector<16xf32>
        %add3A_243 = arith.addf %add3A_238, %get3A_242 : vector<16xf32>
        %swap3A_244 = arith.index_cast %scan3A_148 : i32 to index
        %swap3A_245 = arith.constant 48 : index
        %swap3A_246 = tpu.vector_load %arg13[%swap3A_244, %swap3A_245] {strides = array<i32>} : memref<64x128xf32, #tpu.memory_space<vmem>>, vector<1x16xf32>,
        %swap3A_247 = vector.shape_cast %swap3A_246 : vector<1x16xf32> to vector<16xf32>
        %swap3A_248 = vector.shape_cast %add3A_243 : vector<16xf32> to vector<1x16xf32>
        tpu.vector_store %arg13[%swap3A_244, %swap3A_245], %swap3A_248 {strides = array<i32>} : memref<64x128xf32, #tpu.memory_space<vmem>>, vector<1x16xf32>,
        %add3A_249 = arith.addf %scan3A_152, %add3A_243 : vector<16xf32>
        %mul3A_250 = arith.mulf %add3A_243, %add3A_243 : vector<16xf32>
        %add3A_251 = arith.addf %scan3A_160, %mul3A_250 : vector<16xf32>
        %get3A_252 = arith.index_cast %scan3A_148 : i32 to index
        %get3A_253 = arith.constant 64 : index
        %get3A_254 = tpu.vector_load %arg11[%get3A_252, %get3A_253] {strides = array<i32>} : memref<64x128xf32, #tpu.memory_space<vmem>>, vector<1x16xf32>,
        %get3A_255 = vector.shape_cast %get3A_254 : vector<1x16xf32> to vector<16xf32>
        %get3A_256 = arith.index_cast %scan3A_148 : i32 to index
        %get3A_257 = arith.constant 64 : index
        %get3A_258 = tpu.vector_load %arg12[%get3A_256, %get3A_257] {strides = array<i32>} : memref<64x128xf32, #tpu.memory_space<vmem>>, vector<1x16xf32>,
        %get3A_259 = vector.shape_cast %get3A_258 : vector<1x16xf32> to vector<16xf32>
        %add3A_260 = arith.addf %get3A_255, %get3A_259 : vector<16xf32>
        %get3A_261 = arith.index_cast %scan3A_148 : i32 to index
        %get3A_262 = arith.constant 64 : index
        %get3A_263 = tpu.vector_load %arg13[%get3A_261, %get3A_262] {strides = array<i32>} : memref<64x128xf32, #tpu.memory_space<vmem>>, vector<1x16xf32>,
        %get3A_264 = vector.shape_cast %get3A_263 : vector<1x16xf32> to vector<16xf32>
        %add3A_265 = arith.addf %add3A_260, %get3A_264 : vector<16xf32>
        %swap3A_266 = arith.index_cast %scan3A_148 : i32 to index
        %swap3A_267 = arith.constant 64 : index
        %swap3A_268 = tpu.vector_load %arg13[%swap3A_266, %swap3A_267] {strides = array<i32>} : memref<64x128xf32, #tpu.memory_space<vmem>>, vector<1x16xf32>,
        %swap3A_269 = vector.shape_cast %swap3A_268 : vector<1x16xf32> to vector<16xf32>
        %swap3A_270 = vector.shape_cast %add3A_265 : vector<16xf32> to vector<1x16xf32>
        tpu.vector_store %arg13[%swap3A_266, %swap3A_267], %swap3A_270 {strides = array<i32>} : memref<64x128xf32, #tpu.memory_space<vmem>>, vector<1x16xf32>,
        %add3A_271 = arith.addf %scan3A_153, %add3A_265 : vector<16xf32>
        %mul3A_272 = arith.mulf %add3A_265, %add3A_265 : vector<16xf32>
        %add3A_273 = arith.addf %scan3A_161, %mul3A_272 : vector<16xf32>
        %get3A_274 = arith.index_cast %scan3A_148 : i32 to index
        %get3A_275 = arith.constant 80 : index
        %get3A_276 = tpu.vector_load %arg11[%get3A_274, %get3A_275] {strides = array<i32>} : memref<64x128xf32, #tpu.memory_space<vmem>>, vector<1x16xf32>,
        %get3A_277 = vector.shape_cast %get3A_276 : vector<1x16xf32> to vector<16xf32>
        %get3A_278 = arith.index_cast %scan3A_148 : i32 to index
        %get3A_279 = arith.constant 80 : index
        %get3A_280 = tpu.vector_load %arg12[%get3A_278, %get3A_279] {strides = array<i32>} : memref<64x128xf32, #tpu.memory_space<vmem>>, vector<1x16xf32>,
        %get3A_281 = vector.shape_cast %get3A_280 : vector<1x16xf32> to vector<16xf32>
        %add3A_282 = arith.addf %get3A_277, %get3A_281 : vector<16xf32>
        %get3A_283 = arith.index_cast %scan3A_148 : i32 to index
        %get3A_284 = arith.constant 80 : index
        %get3A_285 = tpu.vector_load %arg13[%get3A_283, %get3A_284] {strides = array<i32>} : memref<64x128xf32, #tpu.memory_space<vmem>>, vector<1x16xf32>,
        %get3A_286 = vector.shape_cast %get3A_285 : vector<1x16xf32> to vector<16xf32>
        %add3A_287 = arith.addf %add3A_282, %get3A_286 : vector<16xf32>
        %swap3A_288 = arith.index_cast %scan3A_148 : i32 to index
        %swap3A_289 = arith.constant 80 : index
        %swap3A_290 = tpu.vector_load %arg13[%swap3A_288, %swap3A_289] {strides = array<i32>} : memref<64x128xf32, #tpu.memory_space<vmem>>, vector<1x16xf32>,
        %swap3A_291 = vector.shape_cast %swap3A_290 : vector<1x16xf32> to vector<16xf32>
        %swap3A_292 = vector.shape_cast %add3A_287 : vector<16xf32> to vector<1x16xf32>
        tpu.vector_store %arg13[%swap3A_288, %swap3A_289], %swap3A_292 {strides = array<i32>} : memref<64x128xf32, #tpu.memory_space<vmem>>, vector<1x16xf32>,
        %add3A_293 = arith.addf %scan3A_154, %add3A_287 : vector<16xf32>
        %mul3A_294 = arith.mulf %add3A_287, %add3A_287 : vector<16xf32>
        %add3A_295 = arith.addf %scan3A_162, %mul3A_294 : vector<16xf32>
        %get3A_296 = arith.index_cast %scan3A_148 : i32 to index
        %get3A_297 = arith.constant 96 : index
        %get3A_298 = tpu.vector_load %arg11[%get3A_296, %get3A_297] {strides = array<i32>} : memref<64x128xf32, #tpu.memory_space<vmem>>, vector<1x16xf32>,
        %get3A_299 = vector.shape_cast %get3A_298 : vector<1x16xf32> to vector<16xf32>
        %get3A_300 = arith.index_cast %scan3A_148 : i32 to index
        %get3A_301 = arith.constant 96 : index
        %get3A_302 = tpu.vector_load %arg12[%get3A_300, %get3A_301] {strides = array<i32>} : memref<64x128xf32, #tpu.memory_space<vmem>>, vector<1x16xf32>,
        %get3A_303 = vector.shape_cast %get3A_302 : vector<1x16xf32> to vector<16xf32>
        %add3A_304 = arith.addf %get3A_299, %get3A_303 : vector<16xf32>
        %get3A_305 = arith.index_cast %scan3A_148 : i32 to index
        %get3A_306 = arith.constant 96 : index
        %get3A_307 = tpu.vector_load %arg13[%get3A_305, %get3A_306] {strides = array<i32>} : memref<64x128xf32, #tpu.memory_space<vmem>>, vector<1x16xf32>,
        %get3A_308 = vector.shape_cast %get3A_307 : vector<1x16xf32> to vector<16xf32>
        %add3A_309 = arith.addf %add3A_304, %get3A_308 : vector<16xf32>
        %swap3A_310 = arith.index_cast %scan3A_148 : i32 to index
        %swap3A_311 = arith.constant 96 : index
        %swap3A_312 = tpu.vector_load %arg13[%swap3A_310, %swap3A_311] {strides = array<i32>} : memref<64x128xf32, #tpu.memory_space<vmem>>, vector<1x16xf32>,
        %swap3A_313 = vector.shape_cast %swap3A_312 : vector<1x16xf32> to vector<16xf32>
        %swap3A_314 = vector.shape_cast %add3A_309 : vector<16xf32> to vector<1x16xf32>
        tpu.vector_store %arg13[%swap3A_310, %swap3A_311], %swap3A_314 {strides = array<i32>} : memref<64x128xf32, #tpu.memory_space<vmem>>, vector<1x16xf32>,
        %add3A_315 = arith.addf %scan3A_155, %add3A_309 : vector<16xf32>
        %mul3A_316 = arith.mulf %add3A_309, %add3A_309 : vector<16xf32>
        %add3A_317 = arith.addf %scan3A_163, %mul3A_316 : vector<16xf32>
        %get3A_318 = arith.index_cast %scan3A_148 : i32 to index
        %get3A_319 = arith.constant 112 : index
        %get3A_320 = tpu.vector_load %arg11[%get3A_318, %get3A_319] {strides = array<i32>} : memref<64x128xf32, #tpu.memory_space<vmem>>, vector<1x16xf32>,
        %get3A_321 = vector.shape_cast %get3A_320 : vector<1x16xf32> to vector<16xf32>
        %get3A_322 = arith.index_cast %scan3A_148 : i32 to index
        %get3A_323 = arith.constant 112 : index
        %get3A_324 = tpu.vector_load %arg12[%get3A_322, %get3A_323] {strides = array<i32>} : memref<64x128xf32, #tpu.memory_space<vmem>>, vector<1x16xf32>,
        %get3A_325 = vector.shape_cast %get3A_324 : vector<1x16xf32> to vector<16xf32>
        %add3A_326 = arith.addf %get3A_321, %get3A_325 : vector<16xf32>
        %get3A_327 = arith.index_cast %scan3A_148 : i32 to index
        %get3A_328 = arith.constant 112 : index
        %get3A_329 = tpu.vector_load %arg13[%get3A_327, %get3A_328] {strides = array<i32>} : memref<64x128xf32, #tpu.memory_space<vmem>>, vector<1x16xf32>,
        %get3A_330 = vector.shape_cast %get3A_329 : vector<1x16xf32> to vector<16xf32>
        %add3A_331 = arith.addf %add3A_326, %get3A_330 : vector<16xf32>
        %swap3A_332 = arith.index_cast %scan3A_148 : i32 to index
        %swap3A_333 = arith.constant 112 : index
        %swap3A_334 = tpu.vector_load %arg13[%swap3A_332, %swap3A_333] {strides = array<i32>} : memref<64x128xf32, #tpu.memory_space<vmem>>, vector<1x16xf32>,
        %swap3A_335 = vector.shape_cast %swap3A_334 : vector<1x16xf32> to vector<16xf32>
        %swap3A_336 = vector.shape_cast %add3A_331 : vector<16xf32> to vector<1x16xf32>
        tpu.vector_store %arg13[%swap3A_332, %swap3A_333], %swap3A_336 {strides = array<i32>} : memref<64x128xf32, #tpu.memory_space<vmem>>, vector<1x16xf32>,
        %add3A_337 = arith.addf %scan3A_156, %add3A_331 : vector<16xf32>
        %mul3A_338 = arith.mulf %add3A_331, %add3A_331 : vector<16xf32>
        %add3A_339 = arith.addf %scan3A_164, %mul3A_338 : vector<16xf32>
        scf.yield %add3A_183, %add3A_205, %add3A_227, %add3A_249, %add3A_271, %add3A_293, %add3A_315, %add3A_337, %add3A_185, %add3A_207, %add3A_229, %add3A_251, %add3A_273, %add3A_295, %add3A_317, %add3A_339 : vector<16xf32>, vector<16xf32>, vector<16xf32>, vector<16xf32>, vector<16xf32>, vector<16xf32>, vector<16xf32>, vector<16xf32>, vector<16xf32>, vector<16xf32>, vector<16xf32>, vector<16xf32>, vector<16xf32>, vector<16xf32>, vector<16xf32>, vector<16xf32>
      }
      %scan3A_147 = arith.constant 64 : i32
      "tpu.region"() ({
        %run_scoped3A = tpu.sem_alloc : memref<!tpu.dma_semaphore, #tpu.memory_space<semaphore_mem>>
        %dma_start3A_148 = arith.constant 0 : i32
        %dma_start3A_149 = tpu.memref_slice %arg7[%mul3A_132, %dma_start3A_148] : memref<160000x128xf32, #tpu.memory_space<hbm>> -> memref<64x128xf32, #tpu.memory_space<hbm>>
        %dma_start3A_150 = arith.constant 0 : i32
        %dma_start3A_151 = tpu.memref_slice %arg7[%mul3A_132, %dma_start3A_150] : memref<160000x128xf32, #tpu.memory_space<hbm>> -> memref<64x128xf32, #tpu.memory_space<hbm>>
        tpu.enqueue_dma source(%arg13 : memref<64x128xf32, #tpu.memory_space<vmem>>) target(%dma_start3A_151 : memref<64x128xf32, #tpu.memory_space<hbm>>) target_semaphore(%run_scoped3A : memref<!tpu.dma_semaphore, #tpu.memory_space<semaphore_mem>>)
        %dma_wait3A_152 = arith.constant 0 : i32
        %dma_wait3A_153 = tpu.memref_slice %arg7[%mul3A_132, %dma_wait3A_152] : memref<160000x128xf32, #tpu.memory_space<hbm>> -> memref<64x128xf32, #tpu.memory_space<hbm>>
        %dma_wait3A_154 = arith.constant 0 : i32
        %dma_wait3A_155 = tpu.memref_slice %arg7[%mul3A_132, %dma_wait3A_154] : memref<160000x128xf32, #tpu.memory_space<hbm>> -> memref<64x128xf32, #tpu.memory_space<hbm>>
        tpu.wait_dma2 semaphore(%run_scoped3A : memref<!tpu.dma_semaphore, #tpu.memory_space<semaphore_mem>>) src(%arg13 : memref<64x128xf32, #tpu.memory_space<vmem>>) dst(%dma_wait3A_155 : memref<64x128xf32, #tpu.memory_space<hbm>>)
        tpu.yield
      }) : () -> ()
      scf.yield %scan3A_146#0, %scan3A_146#1, %scan3A_146#2, %scan3A_146#3, %scan3A_146#4, %scan3A_146#5, %scan3A_146#6, %scan3A_146#7, %scan3A_146#8, %scan3A_146#9, %scan3A_146#10, %scan3A_146#11, %scan3A_146#12, %scan3A_146#13, %scan3A_146#14, %scan3A_146#15 : vector<16xf32>, vector<16xf32>, vector<16xf32>, vector<16xf32>, vector<16xf32>, vector<16xf32>, vector<16xf32>, vector<16xf32>, vector<16xf32>, vector<16xf32>, vector<16xf32>, vector<16xf32>, vector<16xf32>, vector<16xf32>, vector<16xf32>, vector<16xf32>
    }
    %while3A_14 = arith.constant 1 : i32
    %while3A_15:16 = scf.for %while3A_111 = %while3A_11 to %while3A_7 step %while3A_14 iter_args(%while3A_112 = %while3A_13#0, %while3A_113 = %while3A_13#1, %while3A_114 = %while3A_13#2, %while3A_115 = %while3A_13#3, %while3A_116 = %while3A_13#4, %while3A_117 = %while3A_13#5, %while3A_118 = %while3A_13#6, %while3A_119 = %while3A_13#7, %while3A_120 = %while3A_13#8, %while3A_121 = %while3A_13#9, %while3A_122 = %while3A_13#10, %while3A_123 = %while3A_13#11, %while3A_124 = %while3A_13#12, %while3A_125 = %while3A_13#13, %while3A_126 = %while3A_13#14, %while3A_127 = %while3A_13#15) -> (vector<16xf32>, vector<16xf32>, vector<16xf32>, vector<16xf32>, vector<16xf32>, vector<16xf32>, vector<16xf32>, vector<16xf32>, vector<16xf32>, vector<16xf32>, vector<16xf32>, vector<16xf32>, vector<16xf32>, vector<16xf32>, vector<16xf32>, vector<16xf32>)  : i32 {
      %mul3A_128 = arith.constant 32 : i32
      %mul3A_129 = arith.muli %while3A_111, %mul3A_128 : i32
      %add3A_130 = arith.addi %mul3A_129, %add3A : i32
      %mul3A_131 = arith.constant 64 : i32
      %mul3A_132 = arith.muli %add3A_130, %mul3A_131 : i32
      "tpu.region"() ({
        %run_scoped3A = tpu.sem_alloc : memref<!tpu.dma_semaphore, #tpu.memory_space<semaphore_mem>>
        %dma_start3A_148 = tpu.memref_slice %arg5[%mul3A_132] : memref<160000xi32, #tpu.memory_space<hbm>> -> memref<64xi32, #tpu.memory_space<hbm>>
        %dma_start3A_149 = tpu.memref_slice %arg5[%mul3A_132] : memref<160000xi32, #tpu.memory_space<hbm>> -> memref<64xi32, #tpu.memory_space<hbm>>
        tpu.enqueue_dma source(%dma_start3A_149 : memref<64xi32, #tpu.memory_space<hbm>>) target(%arg9 : memref<64xi32, #tpu.memory_space<vmem>>) target_semaphore(%run_scoped3A : memref<!tpu.dma_semaphore, #tpu.memory_space<semaphore_mem>>)
        %dma_wait3A_150 = tpu.memref_slice %arg5[%mul3A_132] : memref<160000xi32, #tpu.memory_space<hbm>> -> memref<64xi32, #tpu.memory_space<hbm>>
        %dma_wait3A_151 = tpu.memref_slice %arg5[%mul3A_132] : memref<160000xi32, #tpu.memory_space<hbm>> -> memref<64xi32, #tpu.memory_space<hbm>>
        tpu.wait_dma2 semaphore(%run_scoped3A : memref<!tpu.dma_semaphore, #tpu.memory_space<semaphore_mem>>) src(%dma_wait3A_151 : memref<64xi32, #tpu.memory_space<hbm>>) dst(%arg9 : memref<64xi32, #tpu.memory_space<vmem>>)
        tpu.yield
      }) : () -> ()
      "tpu.region"() ({
        %run_scoped3A = tpu.sem_alloc : memref<!tpu.dma_semaphore, #tpu.memory_space<semaphore_mem>>
        %dma_start3A_148 = tpu.memref_slice %arg6[%mul3A_132] : memref<160000xi32, #tpu.memory_space<hbm>> -> memref<64xi32, #tpu.memory_space<hbm>>
        %dma_start3A_149 = tpu.memref_slice %arg6[%mul3A_132] : memref<160000xi32, #tpu.memory_space<hbm>> -> memref<64xi32, #tpu.memory_space<hbm>>
        tpu.enqueue_dma source(%dma_start3A_149 : memref<64xi32, #tpu.memory_space<hbm>>) target(%arg10 : memref<64xi32, #tpu.memory_space<vmem>>) target_semaphore(%run_scoped3A : memref<!tpu.dma_semaphore, #tpu.memory_space<semaphore_mem>>)
        %dma_wait3A_150 = tpu.memref_slice %arg6[%mul3A_132] : memref<160000xi32, #tpu.memory_space<hbm>> -> memref<64xi32, #tpu.memory_space<hbm>>
        %dma_wait3A_151 = tpu.memref_slice %arg6[%mul3A_132] : memref<160000xi32, #tpu.memory_space<hbm>> -> memref<64xi32, #tpu.memory_space<hbm>>
        tpu.wait_dma2 semaphore(%run_scoped3A : memref<!tpu.dma_semaphore, #tpu.memory_space<semaphore_mem>>) src(%dma_wait3A_151 : memref<64xi32, #tpu.memory_space<hbm>>) dst(%arg10 : memref<64xi32, #tpu.memory_space<vmem>>)
        tpu.yield
      }) : () -> ()
      %dma_start3A = arith.constant 0 : i32
      %dma_start3A_133 = arith.constant 0 : i32
      %dma_start3A_134 = tpu.memref_slice %arg2[%dma_start3A, %dma_start3A_133] : memref<10000x128xf32, #tpu.memory_space<hbm>> -> memref<10000x128xf32, #tpu.memory_space<hbm>>
      tpu.enqueue_indirect_dma source(%dma_start3A_134 : memref<10000x128xf32, #tpu.memory_space<hbm>>) target(%arg11 : memref<64x128xf32, #tpu.memory_space<vmem>>) offsets(%arg9 : memref<64xi32, #tpu.memory_space<vmem>>) semaphore(%arg15 : memref<!tpu.dma_semaphore, #tpu.memory_space<semaphore_mem>>)
      %dma_start3A_135 = arith.constant 0 : i32
      %dma_start3A_136 = arith.constant 0 : i32
      %dma_start3A_137 = tpu.memref_slice %arg3[%dma_start3A_135, %dma_start3A_136] : memref<10000x128xf32, #tpu.memory_space<hbm>> -> memref<10000x128xf32, #tpu.memory_space<hbm>>
      tpu.enqueue_indirect_dma source(%dma_start3A_137 : memref<10000x128xf32, #tpu.memory_space<hbm>>) target(%arg12 : memref<64x128xf32, #tpu.memory_space<vmem>>) offsets(%arg10 : memref<64xi32, #tpu.memory_space<vmem>>) semaphore(%arg15 : memref<!tpu.dma_semaphore, #tpu.memory_space<semaphore_mem>>)
      "tpu.region"() ({
        %run_scoped3A = tpu.sem_alloc : memref<!tpu.dma_semaphore, #tpu.memory_space<semaphore_mem>>
        %dma_start3A_148 = arith.constant 0 : i32
        %dma_start3A_149 = tpu.memref_slice %arg4[%mul3A_132, %dma_start3A_148] : memref<160000x128xf32, #tpu.memory_space<hbm>> -> memref<64x128xf32, #tpu.memory_space<hbm>>
        %dma_start3A_150 = arith.constant 0 : i32
        %dma_start3A_151 = tpu.memref_slice %arg4[%mul3A_132, %dma_start3A_150] : memref<160000x128xf32, #tpu.memory_space<hbm>> -> memref<64x128xf32, #tpu.memory_space<hbm>>
        tpu.enqueue_dma source(%dma_start3A_151 : memref<64x128xf32, #tpu.memory_space<hbm>>) target(%arg13 : memref<64x128xf32, #tpu.memory_space<vmem>>) target_semaphore(%run_scoped3A : memref<!tpu.dma_semaphore, #tpu.memory_space<semaphore_mem>>)
        %dma_wait3A_152 = arith.constant 0 : i32
        %dma_wait3A_153 = tpu.memref_slice %arg4[%mul3A_132, %dma_wait3A_152] : memref<160000x128xf32, #tpu.memory_space<hbm>> -> memref<64x128xf32, #tpu.memory_space<hbm>>
        %dma_wait3A_154 = arith.constant 0 : i32
        %dma_wait3A_155 = tpu.memref_slice %arg4[%mul3A_132, %dma_wait3A_154] : memref<160000x128xf32, #tpu.memory_space<hbm>> -> memref<64x128xf32, #tpu.memory_space<hbm>>
        tpu.wait_dma2 semaphore(%run_scoped3A : memref<!tpu.dma_semaphore, #tpu.memory_space<semaphore_mem>>) src(%dma_wait3A_155 : memref<64x128xf32, #tpu.memory_space<hbm>>) dst(%arg13 : memref<64x128xf32, #tpu.memory_space<vmem>>)
        tpu.yield
      }) : () -> ()
      %dma_wait3A = arith.constant 0 : i32
      %dma_wait3A_138 = arith.constant 0 : i32
      %dma_wait3A_139 = tpu.memref_slice %arg2[%dma_wait3A, %dma_wait3A_138] : memref<10000x128xf32, #tpu.memory_space<hbm>> -> memref<10000x128xf32, #tpu.memory_space<hbm>>
      tpu.wait_indirect_dma semaphore(%arg15 : memref<!tpu.dma_semaphore, #tpu.memory_space<semaphore_mem>>) src(%dma_wait3A_139 : memref<10000x128xf32, #tpu.memory_space<hbm>>) dst(%arg11 : memref<64x128xf32, #tpu.memory_space<vmem>>)
      %dma_wait3A_140 = arith.constant 0 : i32
      %dma_wait3A_141 = arith.constant 0 : i32
      %dma_wait3A_142 = tpu.memref_slice %arg3[%dma_wait3A_140, %dma_wait3A_141] : memref<10000x128xf32, #tpu.memory_space<hbm>> -> memref<10000x128xf32, #tpu.memory_space<hbm>>
      tpu.wait_indirect_dma semaphore(%arg15 : memref<!tpu.dma_semaphore, #tpu.memory_space<semaphore_mem>>) src(%dma_wait3A_142 : memref<10000x128xf32, #tpu.memory_space<hbm>>) dst(%arg12 : memref<64x128xf32, #tpu.memory_space<vmem>>)
      %scan3A = arith.constant 0 : i32
      %scan3A_143 = arith.constant 64 : i32
      %scan3A_144 = arith.addi %scan3A, %scan3A_143 : i32
      %scan3A_145 = arith.constant 1 : i32
      %scan3A_146:16 = scf.for %scan3A_148 = %scan3A to %scan3A_144 step %scan3A_145 iter_args(%scan3A_149 = %while3A_112, %scan3A_150 = %while3A_113, %scan3A_151 = %while3A_114, %scan3A_152 = %while3A_115, %scan3A_153 = %while3A_116, %scan3A_154 = %while3A_117, %scan3A_155 = %while3A_118, %scan3A_156 = %while3A_119, %scan3A_157 = %while3A_120, %scan3A_158 = %while3A_121, %scan3A_159 = %while3A_122, %scan3A_160 = %while3A_123, %scan3A_161 = %while3A_124, %scan3A_162 = %while3A_125, %scan3A_163 = %while3A_126, %scan3A_164 = %while3A_127) -> (vector<16xf32>, vector<16xf32>, vector<16xf32>, vector<16xf32>, vector<16xf32>, vector<16xf32>, vector<16xf32>, vector<16xf32>, vector<16xf32>, vector<16xf32>, vector<16xf32>, vector<16xf32>, vector<16xf32>, vector<16xf32>, vector<16xf32>, vector<16xf32>)  : i32 {
        %get3A = arith.index_cast %scan3A_148 : i32 to index
        %get3A_165 = arith.constant 0 : index
        %get3A_166 = tpu.vector_load %arg11[%get3A, %get3A_165] {strides = array<i32>} : memref<64x128xf32, #tpu.memory_space<vmem>>, vector<1x16xf32>,
        %get3A_167 = vector.shape_cast %get3A_166 : vector<1x16xf32> to vector<16xf32>
        %get3A_168 = arith.index_cast %scan3A_148 : i32 to index
        %get3A_169 = arith.constant 0 : index
        %get3A_170 = tpu.vector_load %arg12[%get3A_168, %get3A_169] {strides = array<i32>} : memref<64x128xf32, #tpu.memory_space<vmem>>, vector<1x16xf32>,
        %get3A_171 = vector.shape_cast %get3A_170 : vector<1x16xf32> to vector<16xf32>
        %add3A_172 = arith.addf %get3A_167, %get3A_171 : vector<16xf32>
        %get3A_173 = arith.index_cast %scan3A_148 : i32 to index
        %get3A_174 = arith.constant 0 : index
        %get3A_175 = tpu.vector_load %arg13[%get3A_173, %get3A_174] {strides = array<i32>} : memref<64x128xf32, #tpu.memory_space<vmem>>, vector<1x16xf32>,
        %get3A_176 = vector.shape_cast %get3A_175 : vector<1x16xf32> to vector<16xf32>
        %add3A_177 = arith.addf %add3A_172, %get3A_176 : vector<16xf32>
        %swap3A_178 = arith.index_cast %scan3A_148 : i32 to index
        %swap3A_179 = arith.constant 0 : index
        %swap3A_180 = tpu.vector_load %arg13[%swap3A_178, %swap3A_179] {strides = array<i32>} : memref<64x128xf32, #tpu.memory_space<vmem>>, vector<1x16xf32>,
        %swap3A_181 = vector.shape_cast %swap3A_180 : vector<1x16xf32> to vector<16xf32>
        %swap3A_182 = vector.shape_cast %add3A_177 : vector<16xf32> to vector<1x16xf32>
        tpu.vector_store %arg13[%swap3A_178, %swap3A_179], %swap3A_182 {strides = array<i32>} : memref<64x128xf32, #tpu.memory_space<vmem>>, vector<1x16xf32>,
        %add3A_183 = arith.addf %scan3A_149, %add3A_177 : vector<16xf32>
        %mul3A_184 = arith.mulf %add3A_177, %add3A_177 : vector<16xf32>
        %add3A_185 = arith.addf %scan3A_157, %mul3A_184 : vector<16xf32>
        %get3A_186 = arith.index_cast %scan3A_148 : i32 to index
        %get3A_187 = arith.constant 16 : index
        %get3A_188 = tpu.vector_load %arg11[%get3A_186, %get3A_187] {strides = array<i32>} : memref<64x128xf32, #tpu.memory_space<vmem>>, vector<1x16xf32>,
        %get3A_189 = vector.shape_cast %get3A_188 : vector<1x16xf32> to vector<16xf32>
        %get3A_190 = arith.index_cast %scan3A_148 : i32 to index
        %get3A_191 = arith.constant 16 : index
        %get3A_192 = tpu.vector_load %arg12[%get3A_190, %get3A_191] {strides = array<i32>} : memref<64x128xf32, #tpu.memory_space<vmem>>, vector<1x16xf32>,
        %get3A_193 = vector.shape_cast %get3A_192 : vector<1x16xf32> to vector<16xf32>
        %add3A_194 = arith.addf %get3A_189, %get3A_193 : vector<16xf32>
        %get3A_195 = arith.index_cast %scan3A_148 : i32 to index
        %get3A_196 = arith.constant 16 : index
        %get3A_197 = tpu.vector_load %arg13[%get3A_195, %get3A_196] {strides = array<i32>} : memref<64x128xf32, #tpu.memory_space<vmem>>, vector<1x16xf32>,
        %get3A_198 = vector.shape_cast %get3A_197 : vector<1x16xf32> to vector<16xf32>
        %add3A_199 = arith.addf %add3A_194, %get3A_198 : vector<16xf32>
        %swap3A_200 = arith.index_cast %scan3A_148 : i32 to index
        %swap3A_201 = arith.constant 16 : index
        %swap3A_202 = tpu.vector_load %arg13[%swap3A_200, %swap3A_201] {strides = array<i32>} : memref<64x128xf32, #tpu.memory_space<vmem>>, vector<1x16xf32>,
        %swap3A_203 = vector.shape_cast %swap3A_202 : vector<1x16xf32> to vector<16xf32>
        %swap3A_204 = vector.shape_cast %add3A_199 : vector<16xf32> to vector<1x16xf32>
        tpu.vector_store %arg13[%swap3A_200, %swap3A_201], %swap3A_204 {strides = array<i32>} : memref<64x128xf32, #tpu.memory_space<vmem>>, vector<1x16xf32>,
        %add3A_205 = arith.addf %scan3A_150, %add3A_199 : vector<16xf32>
        %mul3A_206 = arith.mulf %add3A_199, %add3A_199 : vector<16xf32>
        %add3A_207 = arith.addf %scan3A_158, %mul3A_206 : vector<16xf32>
        %get3A_208 = arith.index_cast %scan3A_148 : i32 to index
        %get3A_209 = arith.constant 32 : index
        %get3A_210 = tpu.vector_load %arg11[%get3A_208, %get3A_209] {strides = array<i32>} : memref<64x128xf32, #tpu.memory_space<vmem>>, vector<1x16xf32>,
        %get3A_211 = vector.shape_cast %get3A_210 : vector<1x16xf32> to vector<16xf32>
        %get3A_212 = arith.index_cast %scan3A_148 : i32 to index
        %get3A_213 = arith.constant 32 : index
        %get3A_214 = tpu.vector_load %arg12[%get3A_212, %get3A_213] {strides = array<i32>} : memref<64x128xf32, #tpu.memory_space<vmem>>, vector<1x16xf32>,
        %get3A_215 = vector.shape_cast %get3A_214 : vector<1x16xf32> to vector<16xf32>
        %add3A_216 = arith.addf %get3A_211, %get3A_215 : vector<16xf32>
        %get3A_217 = arith.index_cast %scan3A_148 : i32 to index
        %get3A_218 = arith.constant 32 : index
        %get3A_219 = tpu.vector_load %arg13[%get3A_217, %get3A_218] {strides = array<i32>} : memref<64x128xf32, #tpu.memory_space<vmem>>, vector<1x16xf32>,
        %get3A_220 = vector.shape_cast %get3A_219 : vector<1x16xf32> to vector<16xf32>
        %add3A_221 = arith.addf %add3A_216, %get3A_220 : vector<16xf32>
        %swap3A_222 = arith.index_cast %scan3A_148 : i32 to index
        %swap3A_223 = arith.constant 32 : index
        %swap3A_224 = tpu.vector_load %arg13[%swap3A_222, %swap3A_223] {strides = array<i32>} : memref<64x128xf32, #tpu.memory_space<vmem>>, vector<1x16xf32>,
        %swap3A_225 = vector.shape_cast %swap3A_224 : vector<1x16xf32> to vector<16xf32>
        %swap3A_226 = vector.shape_cast %add3A_221 : vector<16xf32> to vector<1x16xf32>
        tpu.vector_store %arg13[%swap3A_222, %swap3A_223], %swap3A_226 {strides = array<i32>} : memref<64x128xf32, #tpu.memory_space<vmem>>, vector<1x16xf32>,
        %add3A_227 = arith.addf %scan3A_151, %add3A_221 : vector<16xf32>
        %mul3A_228 = arith.mulf %add3A_221, %add3A_221 : vector<16xf32>
        %add3A_229 = arith.addf %scan3A_159, %mul3A_228 : vector<16xf32>
        %get3A_230 = arith.index_cast %scan3A_148 : i32 to index
        %get3A_231 = arith.constant 48 : index
        %get3A_232 = tpu.vector_load %arg11[%get3A_230, %get3A_231] {strides = array<i32>} : memref<64x128xf32, #tpu.memory_space<vmem>>, vector<1x16xf32>,
        %get3A_233 = vector.shape_cast %get3A_232 : vector<1x16xf32> to vector<16xf32>
        %get3A_234 = arith.index_cast %scan3A_148 : i32 to index
        %get3A_235 = arith.constant 48 : index
        %get3A_236 = tpu.vector_load %arg12[%get3A_234, %get3A_235] {strides = array<i32>} : memref<64x128xf32, #tpu.memory_space<vmem>>, vector<1x16xf32>,
        %get3A_237 = vector.shape_cast %get3A_236 : vector<1x16xf32> to vector<16xf32>
        %add3A_238 = arith.addf %get3A_233, %get3A_237 : vector<16xf32>
        %get3A_239 = arith.index_cast %scan3A_148 : i32 to index
        %get3A_240 = arith.constant 48 : index
        %get3A_241 = tpu.vector_load %arg13[%get3A_239, %get3A_240] {strides = array<i32>} : memref<64x128xf32, #tpu.memory_space<vmem>>, vector<1x16xf32>,
        %get3A_242 = vector.shape_cast %get3A_241 : vector<1x16xf32> to vector<16xf32>
        %add3A_243 = arith.addf %add3A_238, %get3A_242 : vector<16xf32>
        %swap3A_244 = arith.index_cast %scan3A_148 : i32 to index
        %swap3A_245 = arith.constant 48 : index
        %swap3A_246 = tpu.vector_load %arg13[%swap3A_244, %swap3A_245] {strides = array<i32>} : memref<64x128xf32, #tpu.memory_space<vmem>>, vector<1x16xf32>,
        %swap3A_247 = vector.shape_cast %swap3A_246 : vector<1x16xf32> to vector<16xf32>
        %swap3A_248 = vector.shape_cast %add3A_243 : vector<16xf32> to vector<1x16xf32>
        tpu.vector_store %arg13[%swap3A_244, %swap3A_245], %swap3A_248 {strides = array<i32>} : memref<64x128xf32, #tpu.memory_space<vmem>>, vector<1x16xf32>,
        %add3A_249 = arith.addf %scan3A_152, %add3A_243 : vector<16xf32>
        %mul3A_250 = arith.mulf %add3A_243, %add3A_243 : vector<16xf32>
        %add3A_251 = arith.addf %scan3A_160, %mul3A_250 : vector<16xf32>
        %get3A_252 = arith.index_cast %scan3A_148 : i32 to index
        %get3A_253 = arith.constant 64 : index
        %get3A_254 = tpu.vector_load %arg11[%get3A_252, %get3A_253] {strides = array<i32>} : memref<64x128xf32, #tpu.memory_space<vmem>>, vector<1x16xf32>,
        %get3A_255 = vector.shape_cast %get3A_254 : vector<1x16xf32> to vector<16xf32>
        %get3A_256 = arith.index_cast %scan3A_148 : i32 to index
        %get3A_257 = arith.constant 64 : index
        %get3A_258 = tpu.vector_load %arg12[%get3A_256, %get3A_257] {strides = array<i32>} : memref<64x128xf32, #tpu.memory_space<vmem>>, vector<1x16xf32>,
        %get3A_259 = vector.shape_cast %get3A_258 : vector<1x16xf32> to vector<16xf32>
        %add3A_260 = arith.addf %get3A_255, %get3A_259 : vector<16xf32>
        %get3A_261 = arith.index_cast %scan3A_148 : i32 to index
        %get3A_262 = arith.constant 64 : index
        %get3A_263 = tpu.vector_load %arg13[%get3A_261, %get3A_262] {strides = array<i32>} : memref<64x128xf32, #tpu.memory_space<vmem>>, vector<1x16xf32>,
        %get3A_264 = vector.shape_cast %get3A_263 : vector<1x16xf32> to vector<16xf32>
        %add3A_265 = arith.addf %add3A_260, %get3A_264 : vector<16xf32>
        %swap3A_266 = arith.index_cast %scan3A_148 : i32 to index
        %swap3A_267 = arith.constant 64 : index
        %swap3A_268 = tpu.vector_load %arg13[%swap3A_266, %swap3A_267] {strides = array<i32>} : memref<64x128xf32, #tpu.memory_space<vmem>>, vector<1x16xf32>,
        %swap3A_269 = vector.shape_cast %swap3A_268 : vector<1x16xf32> to vector<16xf32>
        %swap3A_270 = vector.shape_cast %add3A_265 : vector<16xf32> to vector<1x16xf32>
        tpu.vector_store %arg13[%swap3A_266, %swap3A_267], %swap3A_270 {strides = array<i32>} : memref<64x128xf32, #tpu.memory_space<vmem>>, vector<1x16xf32>,
        %add3A_271 = arith.addf %scan3A_153, %add3A_265 : vector<16xf32>
        %mul3A_272 = arith.mulf %add3A_265, %add3A_265 : vector<16xf32>
        %add3A_273 = arith.addf %scan3A_161, %mul3A_272 : vector<16xf32>
        %get3A_274 = arith.index_cast %scan3A_148 : i32 to index
        %get3A_275 = arith.constant 80 : index
        %get3A_276 = tpu.vector_load %arg11[%get3A_274, %get3A_275] {strides = array<i32>} : memref<64x128xf32, #tpu.memory_space<vmem>>, vector<1x16xf32>,
        %get3A_277 = vector.shape_cast %get3A_276 : vector<1x16xf32> to vector<16xf32>
        %get3A_278 = arith.index_cast %scan3A_148 : i32 to index
        %get3A_279 = arith.constant 80 : index
        %get3A_280 = tpu.vector_load %arg12[%get3A_278, %get3A_279] {strides = array<i32>} : memref<64x128xf32, #tpu.memory_space<vmem>>, vector<1x16xf32>,
        %get3A_281 = vector.shape_cast %get3A_280 : vector<1x16xf32> to vector<16xf32>
        %add3A_282 = arith.addf %get3A_277, %get3A_281 : vector<16xf32>
        %get3A_283 = arith.index_cast %scan3A_148 : i32 to index
        %get3A_284 = arith.constant 80 : index
        %get3A_285 = tpu.vector_load %arg13[%get3A_283, %get3A_284] {strides = array<i32>} : memref<64x128xf32, #tpu.memory_space<vmem>>, vector<1x16xf32>,
        %get3A_286 = vector.shape_cast %get3A_285 : vector<1x16xf32> to vector<16xf32>
        %add3A_287 = arith.addf %add3A_282, %get3A_286 : vector<16xf32>
        %swap3A_288 = arith.index_cast %scan3A_148 : i32 to index
        %swap3A_289 = arith.constant 80 : index
        %swap3A_290 = tpu.vector_load %arg13[%swap3A_288, %swap3A_289] {strides = array<i32>} : memref<64x128xf32, #tpu.memory_space<vmem>>, vector<1x16xf32>,
        %swap3A_291 = vector.shape_cast %swap3A_290 : vector<1x16xf32> to vector<16xf32>
        %swap3A_292 = vector.shape_cast %add3A_287 : vector<16xf32> to vector<1x16xf32>
        tpu.vector_store %arg13[%swap3A_288, %swap3A_289], %swap3A_292 {strides = array<i32>} : memref<64x128xf32, #tpu.memory_space<vmem>>, vector<1x16xf32>,
        %add3A_293 = arith.addf %scan3A_154, %add3A_287 : vector<16xf32>
        %mul3A_294 = arith.mulf %add3A_287, %add3A_287 : vector<16xf32>
        %add3A_295 = arith.addf %scan3A_162, %mul3A_294 : vector<16xf32>
        %get3A_296 = arith.index_cast %scan3A_148 : i32 to index
        %get3A_297 = arith.constant 96 : index
        %get3A_298 = tpu.vector_load %arg11[%get3A_296, %get3A_297] {strides = array<i32>} : memref<64x128xf32, #tpu.memory_space<vmem>>, vector<1x16xf32>,
        %get3A_299 = vector.shape_cast %get3A_298 : vector<1x16xf32> to vector<16xf32>
        %get3A_300 = arith.index_cast %scan3A_148 : i32 to index
        %get3A_301 = arith.constant 96 : index
        %get3A_302 = tpu.vector_load %arg12[%get3A_300, %get3A_301] {strides = array<i32>} : memref<64x128xf32, #tpu.memory_space<vmem>>, vector<1x16xf32>,
        %get3A_303 = vector.shape_cast %get3A_302 : vector<1x16xf32> to vector<16xf32>
        %add3A_304 = arith.addf %get3A_299, %get3A_303 : vector<16xf32>
        %get3A_305 = arith.index_cast %scan3A_148 : i32 to index
        %get3A_306 = arith.constant 96 : index
        %get3A_307 = tpu.vector_load %arg13[%get3A_305, %get3A_306] {strides = array<i32>} : memref<64x128xf32, #tpu.memory_space<vmem>>, vector<1x16xf32>,
        %get3A_308 = vector.shape_cast %get3A_307 : vector<1x16xf32> to vector<16xf32>
        %add3A_309 = arith.addf %add3A_304, %get3A_308 : vector<16xf32>
        %swap3A_310 = arith.index_cast %scan3A_148 : i32 to index
        %swap3A_311 = arith.constant 96 : index
        %swap3A_312 = tpu.vector_load %arg13[%swap3A_310, %swap3A_311] {strides = array<i32>} : memref<64x128xf32, #tpu.memory_space<vmem>>, vector<1x16xf32>,
        %swap3A_313 = vector.shape_cast %swap3A_312 : vector<1x16xf32> to vector<16xf32>
        %swap3A_314 = vector.shape_cast %add3A_309 : vector<16xf32> to vector<1x16xf32>
        tpu.vector_store %arg13[%swap3A_310, %swap3A_311], %swap3A_314 {strides = array<i32>} : memref<64x128xf32, #tpu.memory_space<vmem>>, vector<1x16xf32>,
        %add3A_315 = arith.addf %scan3A_155, %add3A_309 : vector<16xf32>
        %mul3A_316 = arith.mulf %add3A_309, %add3A_309 : vector<16xf32>
        %add3A_317 = arith.addf %scan3A_163, %mul3A_316 : vector<16xf32>
        %get3A_318 = arith.index_cast %scan3A_148 : i32 to index
        %get3A_319 = arith.constant 112 : index
        %get3A_320 = tpu.vector_load %arg11[%get3A_318, %get3A_319] {strides = array<i32>} : memref<64x128xf32, #tpu.memory_space<vmem>>, vector<1x16xf32>,
        %get3A_321 = vector.shape_cast %get3A_320 : vector<1x16xf32> to vector<16xf32>
        %get3A_322 = arith.index_cast %scan3A_148 : i32 to index
        %get3A_323 = arith.constant 112 : index
        %get3A_324 = tpu.vector_load %arg12[%get3A_322, %get3A_323] {strides = array<i32>} : memref<64x128xf32, #tpu.memory_space<vmem>>, vector<1x16xf32>,
        %get3A_325 = vector.shape_cast %get3A_324 : vector<1x16xf32> to vector<16xf32>
        %add3A_326 = arith.addf %get3A_321, %get3A_325 : vector<16xf32>
        %get3A_327 = arith.index_cast %scan3A_148 : i32 to index
        %get3A_328 = arith.constant 112 : index
        %get3A_329 = tpu.vector_load %arg13[%get3A_327, %get3A_328] {strides = array<i32>} : memref<64x128xf32, #tpu.memory_space<vmem>>, vector<1x16xf32>,
        %get3A_330 = vector.shape_cast %get3A_329 : vector<1x16xf32> to vector<16xf32>
        %add3A_331 = arith.addf %add3A_326, %get3A_330 : vector<16xf32>
        %swap3A_332 = arith.index_cast %scan3A_148 : i32 to index
        %swap3A_333 = arith.constant 112 : index
        %swap3A_334 = tpu.vector_load %arg13[%swap3A_332, %swap3A_333] {strides = array<i32>} : memref<64x128xf32, #tpu.memory_space<vmem>>, vector<1x16xf32>,
        %swap3A_335 = vector.shape_cast %swap3A_334 : vector<1x16xf32> to vector<16xf32>
        %swap3A_336 = vector.shape_cast %add3A_331 : vector<16xf32> to vector<1x16xf32>
        tpu.vector_store %arg13[%swap3A_332, %swap3A_333], %swap3A_336 {strides = array<i32>} : memref<64x128xf32, #tpu.memory_space<vmem>>, vector<1x16xf32>,
        %add3A_337 = arith.addf %scan3A_156, %add3A_331 : vector<16xf32>
        %mul3A_338 = arith.mulf %add3A_331, %add3A_331 : vector<16xf32>
        %add3A_339 = arith.addf %scan3A_164, %mul3A_338 : vector<16xf32>
        scf.yield %add3A_183, %add3A_205, %add3A_227, %add3A_249, %add3A_271, %add3A_293, %add3A_315, %add3A_337, %add3A_185, %add3A_207, %add3A_229, %add3A_251, %add3A_273, %add3A_295, %add3A_317, %add3A_339 : vector<16xf32>, vector<16xf32>, vector<16xf32>, vector<16xf32>, vector<16xf32>, vector<16xf32>, vector<16xf32>, vector<16xf32>, vector<16xf32>, vector<16xf32>, vector<16xf32>, vector<16xf32>, vector<16xf32>, vector<16xf32>, vector<16xf32>, vector<16xf32>
      }
      %scan3A_147 = arith.constant 64 : i32
      "tpu.region"() ({
        %run_scoped3A = tpu.sem_alloc : memref<!tpu.dma_semaphore, #tpu.memory_space<semaphore_mem>>
        %dma_start3A_148 = arith.constant 0 : i32
        %dma_start3A_149 = tpu.memref_slice %arg7[%mul3A_132, %dma_start3A_148] : memref<160000x128xf32, #tpu.memory_space<hbm>> -> memref<64x128xf32, #tpu.memory_space<hbm>>
        %dma_start3A_150 = arith.constant 0 : i32
        %dma_start3A_151 = tpu.memref_slice %arg7[%mul3A_132, %dma_start3A_150] : memref<160000x128xf32, #tpu.memory_space<hbm>> -> memref<64x128xf32, #tpu.memory_space<hbm>>
        tpu.enqueue_dma source(%arg13 : memref<64x128xf32, #tpu.memory_space<vmem>>) target(%dma_start3A_151 : memref<64x128xf32, #tpu.memory_space<hbm>>) target_semaphore(%run_scoped3A : memref<!tpu.dma_semaphore, #tpu.memory_space<semaphore_mem>>)
        %dma_wait3A_152 = arith.constant 0 : i32
        %dma_wait3A_153 = tpu.memref_slice %arg7[%mul3A_132, %dma_wait3A_152] : memref<160000x128xf32, #tpu.memory_space<hbm>> -> memref<64x128xf32, #tpu.memory_space<hbm>>
        %dma_wait3A_154 = arith.constant 0 : i32
        %dma_wait3A_155 = tpu.memref_slice %arg7[%mul3A_132, %dma_wait3A_154] : memref<160000x128xf32, #tpu.memory_space<hbm>> -> memref<64x128xf32, #tpu.memory_space<hbm>>
        tpu.wait_dma2 semaphore(%run_scoped3A : memref<!tpu.dma_semaphore, #tpu.memory_space<semaphore_mem>>) src(%arg13 : memref<64x128xf32, #tpu.memory_space<vmem>>) dst(%dma_wait3A_155 : memref<64x128xf32, #tpu.memory_space<hbm>>)
        tpu.yield
      }) : () -> ()
      scf.yield %scan3A_146#0, %scan3A_146#1, %scan3A_146#2, %scan3A_146#3, %scan3A_146#4, %scan3A_146#5, %scan3A_146#6, %scan3A_146#7, %scan3A_146#8, %scan3A_146#9, %scan3A_146#10, %scan3A_146#11, %scan3A_146#12, %scan3A_146#13, %scan3A_146#14, %scan3A_146#15 : vector<16xf32>, vector<16xf32>, vector<16xf32>, vector<16xf32>, vector<16xf32>, vector<16xf32>, vector<16xf32>, vector<16xf32>, vector<16xf32>, vector<16xf32>, vector<16xf32>, vector<16xf32>, vector<16xf32>, vector<16xf32>, vector<16xf32>, vector<16xf32>
    }
    %swap3A = arith.constant 0 : i32
    %swap3A_16 = arith.index_cast %swap3A : i32 to index
    %swap3A_17 = arith.constant 0 : index
    %swap3A_18 = tpu.vector_load %arg14[%swap3A_16, %swap3A_17] {strides = array<i32>} : memref<8x128xf32, #tpu.memory_space<vmem>>, vector<1x16xf32>,
    %swap3A_19 = vector.shape_cast %swap3A_18 : vector<1x16xf32> to vector<16xf32>
    %swap3A_20 = vector.shape_cast %while3A_15#0 : vector<16xf32> to vector<1x16xf32>
    tpu.vector_store %arg14[%swap3A_16, %swap3A_17], %swap3A_20 {strides = array<i32>} : memref<8x128xf32, #tpu.memory_space<vmem>>, vector<1x16xf32>,
    %swap3A_21 = arith.constant 1 : i32
    %swap3A_22 = arith.index_cast %swap3A_21 : i32 to index
    %swap3A_23 = arith.constant 0 : index
    %swap3A_24 = tpu.vector_load %arg14[%swap3A_22, %swap3A_23] {strides = array<i32>} : memref<8x128xf32, #tpu.memory_space<vmem>>, vector<1x16xf32>,
    %swap3A_25 = vector.shape_cast %swap3A_24 : vector<1x16xf32> to vector<16xf32>
    %swap3A_26 = vector.shape_cast %while3A_15#8 : vector<16xf32> to vector<1x16xf32>
    tpu.vector_store %arg14[%swap3A_22, %swap3A_23], %swap3A_26 {strides = array<i32>} : memref<8x128xf32, #tpu.memory_space<vmem>>, vector<1x16xf32>,
    %swap3A_27 = arith.constant 0 : i32
    %swap3A_28 = arith.index_cast %swap3A_27 : i32 to index
    %swap3A_29 = arith.constant 16 : index
    %swap3A_30 = tpu.vector_load %arg14[%swap3A_28, %swap3A_29] {strides = array<i32>} : memref<8x128xf32, #tpu.memory_space<vmem>>, vector<1x16xf32>,
    %swap3A_31 = vector.shape_cast %swap3A_30 : vector<1x16xf32> to vector<16xf32>
    %swap3A_32 = vector.shape_cast %while3A_15#1 : vector<16xf32> to vector<1x16xf32>
    tpu.vector_store %arg14[%swap3A_28, %swap3A_29], %swap3A_32 {strides = array<i32>} : memref<8x128xf32, #tpu.memory_space<vmem>>, vector<1x16xf32>,
    %swap3A_33 = arith.constant 1 : i32
    %swap3A_34 = arith.index_cast %swap3A_33 : i32 to index
    %swap3A_35 = arith.constant 16 : index
    %swap3A_36 = tpu.vector_load %arg14[%swap3A_34, %swap3A_35] {strides = array<i32>} : memref<8x128xf32, #tpu.memory_space<vmem>>, vector<1x16xf32>,
    %swap3A_37 = vector.shape_cast %swap3A_36 : vector<1x16xf32> to vector<16xf32>
    %swap3A_38 = vector.shape_cast %while3A_15#9 : vector<16xf32> to vector<1x16xf32>
    tpu.vector_store %arg14[%swap3A_34, %swap3A_35], %swap3A_38 {strides = array<i32>} : memref<8x128xf32, #tpu.memory_space<vmem>>, vector<1x16xf32>,
    %swap3A_39 = arith.constant 0 : i32
    %swap3A_40 = arith.index_cast %swap3A_39 : i32 to index
    %swap3A_41 = arith.constant 32 : index
    %swap3A_42 = tpu.vector_load %arg14[%swap3A_40, %swap3A_41] {strides = array<i32>} : memref<8x128xf32, #tpu.memory_space<vmem>>, vector<1x16xf32>,
    %swap3A_43 = vector.shape_cast %swap3A_42 : vector<1x16xf32> to vector<16xf32>
    %swap3A_44 = vector.shape_cast %while3A_15#2 : vector<16xf32> to vector<1x16xf32>
    tpu.vector_store %arg14[%swap3A_40, %swap3A_41], %swap3A_44 {strides = array<i32>} : memref<8x128xf32, #tpu.memory_space<vmem>>, vector<1x16xf32>,
    %swap3A_45 = arith.constant 1 : i32
    %swap3A_46 = arith.index_cast %swap3A_45 : i32 to index
    %swap3A_47 = arith.constant 32 : index
    %swap3A_48 = tpu.vector_load %arg14[%swap3A_46, %swap3A_47] {strides = array<i32>} : memref<8x128xf32, #tpu.memory_space<vmem>>, vector<1x16xf32>,
    %swap3A_49 = vector.shape_cast %swap3A_48 : vector<1x16xf32> to vector<16xf32>
    %swap3A_50 = vector.shape_cast %while3A_15#10 : vector<16xf32> to vector<1x16xf32>
    tpu.vector_store %arg14[%swap3A_46, %swap3A_47], %swap3A_50 {strides = array<i32>} : memref<8x128xf32, #tpu.memory_space<vmem>>, vector<1x16xf32>,
    %swap3A_51 = arith.constant 0 : i32
    %swap3A_52 = arith.index_cast %swap3A_51 : i32 to index
    %swap3A_53 = arith.constant 48 : index
    %swap3A_54 = tpu.vector_load %arg14[%swap3A_52, %swap3A_53] {strides = array<i32>} : memref<8x128xf32, #tpu.memory_space<vmem>>, vector<1x16xf32>,
    %swap3A_55 = vector.shape_cast %swap3A_54 : vector<1x16xf32> to vector<16xf32>
    %swap3A_56 = vector.shape_cast %while3A_15#3 : vector<16xf32> to vector<1x16xf32>
    tpu.vector_store %arg14[%swap3A_52, %swap3A_53], %swap3A_56 {strides = array<i32>} : memref<8x128xf32, #tpu.memory_space<vmem>>, vector<1x16xf32>,
    %swap3A_57 = arith.constant 1 : i32
    %swap3A_58 = arith.index_cast %swap3A_57 : i32 to index
    %swap3A_59 = arith.constant 48 : index
    %swap3A_60 = tpu.vector_load %arg14[%swap3A_58, %swap3A_59] {strides = array<i32>} : memref<8x128xf32, #tpu.memory_space<vmem>>, vector<1x16xf32>,
    %swap3A_61 = vector.shape_cast %swap3A_60 : vector<1x16xf32> to vector<16xf32>
    %swap3A_62 = vector.shape_cast %while3A_15#11 : vector<16xf32> to vector<1x16xf32>
    tpu.vector_store %arg14[%swap3A_58, %swap3A_59], %swap3A_62 {strides = array<i32>} : memref<8x128xf32, #tpu.memory_space<vmem>>, vector<1x16xf32>,
    %swap3A_63 = arith.constant 0 : i32
    %swap3A_64 = arith.index_cast %swap3A_63 : i32 to index
    %swap3A_65 = arith.constant 64 : index
    %swap3A_66 = tpu.vector_load %arg14[%swap3A_64, %swap3A_65] {strides = array<i32>} : memref<8x128xf32, #tpu.memory_space<vmem>>, vector<1x16xf32>,
    %swap3A_67 = vector.shape_cast %swap3A_66 : vector<1x16xf32> to vector<16xf32>
    %swap3A_68 = vector.shape_cast %while3A_15#4 : vector<16xf32> to vector<1x16xf32>
    tpu.vector_store %arg14[%swap3A_64, %swap3A_65], %swap3A_68 {strides = array<i32>} : memref<8x128xf32, #tpu.memory_space<vmem>>, vector<1x16xf32>,
    %swap3A_69 = arith.constant 1 : i32
    %swap3A_70 = arith.index_cast %swap3A_69 : i32 to index
    %swap3A_71 = arith.constant 64 : index
    %swap3A_72 = tpu.vector_load %arg14[%swap3A_70, %swap3A_71] {strides = array<i32>} : memref<8x128xf32, #tpu.memory_space<vmem>>, vector<1x16xf32>,
    %swap3A_73 = vector.shape_cast %swap3A_72 : vector<1x16xf32> to vector<16xf32>
    %swap3A_74 = vector.shape_cast %while3A_15#12 : vector<16xf32> to vector<1x16xf32>
    tpu.vector_store %arg14[%swap3A_70, %swap3A_71], %swap3A_74 {strides = array<i32>} : memref<8x128xf32, #tpu.memory_space<vmem>>, vector<1x16xf32>,
    %swap3A_75 = arith.constant 0 : i32
    %swap3A_76 = arith.index_cast %swap3A_75 : i32 to index
    %swap3A_77 = arith.constant 80 : index
    %swap3A_78 = tpu.vector_load %arg14[%swap3A_76, %swap3A_77] {strides = array<i32>} : memref<8x128xf32, #tpu.memory_space<vmem>>, vector<1x16xf32>,
    %swap3A_79 = vector.shape_cast %swap3A_78 : vector<1x16xf32> to vector<16xf32>
    %swap3A_80 = vector.shape_cast %while3A_15#5 : vector<16xf32> to vector<1x16xf32>
    tpu.vector_store %arg14[%swap3A_76, %swap3A_77], %swap3A_80 {strides = array<i32>} : memref<8x128xf32, #tpu.memory_space<vmem>>, vector<1x16xf32>,
    %swap3A_81 = arith.constant 1 : i32
    %swap3A_82 = arith.index_cast %swap3A_81 : i32 to index
    %swap3A_83 = arith.constant 80 : index
    %swap3A_84 = tpu.vector_load %arg14[%swap3A_82, %swap3A_83] {strides = array<i32>} : memref<8x128xf32, #tpu.memory_space<vmem>>, vector<1x16xf32>,
    %swap3A_85 = vector.shape_cast %swap3A_84 : vector<1x16xf32> to vector<16xf32>
    %swap3A_86 = vector.shape_cast %while3A_15#13 : vector<16xf32> to vector<1x16xf32>
    tpu.vector_store %arg14[%swap3A_82, %swap3A_83], %swap3A_86 {strides = array<i32>} : memref<8x128xf32, #tpu.memory_space<vmem>>, vector<1x16xf32>,
    %swap3A_87 = arith.constant 0 : i32
    %swap3A_88 = arith.index_cast %swap3A_87 : i32 to index
    %swap3A_89 = arith.constant 96 : index
    %swap3A_90 = tpu.vector_load %arg14[%swap3A_88, %swap3A_89] {strides = array<i32>} : memref<8x128xf32, #tpu.memory_space<vmem>>, vector<1x16xf32>,
    %swap3A_91 = vector.shape_cast %swap3A_90 : vector<1x16xf32> to vector<16xf32>
    %swap3A_92 = vector.shape_cast %while3A_15#6 : vector<16xf32> to vector<1x16xf32>
    tpu.vector_store %arg14[%swap3A_88, %swap3A_89], %swap3A_92 {strides = array<i32>} : memref<8x128xf32, #tpu.memory_space<vmem>>, vector<1x16xf32>,
    %swap3A_93 = arith.constant 1 : i32
    %swap3A_94 = arith.index_cast %swap3A_93 : i32 to index
    %swap3A_95 = arith.constant 96 : index
    %swap3A_96 = tpu.vector_load %arg14[%swap3A_94, %swap3A_95] {strides = array<i32>} : memref<8x128xf32, #tpu.memory_space<vmem>>, vector<1x16xf32>,
    %swap3A_97 = vector.shape_cast %swap3A_96 : vector<1x16xf32> to vector<16xf32>
    %swap3A_98 = vector.shape_cast %while3A_15#14 : vector<16xf32> to vector<1x16xf32>
    tpu.vector_store %arg14[%swap3A_94, %swap3A_95], %swap3A_98 {strides = array<i32>} : memref<8x128xf32, #tpu.memory_space<vmem>>, vector<1x16xf32>,
    %swap3A_99 = arith.constant 0 : i32
    %swap3A_100 = arith.index_cast %swap3A_99 : i32 to index
    %swap3A_101 = arith.constant 112 : index
    %swap3A_102 = tpu.vector_load %arg14[%swap3A_100, %swap3A_101] {strides = array<i32>} : memref<8x128xf32, #tpu.memory_space<vmem>>, vector<1x16xf32>,
    %swap3A_103 = vector.shape_cast %swap3A_102 : vector<1x16xf32> to vector<16xf32>
    %swap3A_104 = vector.shape_cast %while3A_15#7 : vector<16xf32> to vector<1x16xf32>
    tpu.vector_store %arg14[%swap3A_100, %swap3A_101], %swap3A_104 {strides = array<i32>} : memref<8x128xf32, #tpu.memory_space<vmem>>, vector<1x16xf32>,
    %swap3A_105 = arith.constant 1 : i32
    %swap3A_106 = arith.index_cast %swap3A_105 : i32 to index
    %swap3A_107 = arith.constant 112 : index
    %swap3A_108 = tpu.vector_load %arg14[%swap3A_106, %swap3A_107] {strides = array<i32>} : memref<8x128xf32, #tpu.memory_space<vmem>>, vector<1x16xf32>,
    %swap3A_109 = vector.shape_cast %swap3A_108 : vector<1x16xf32> to vector<16xf32>
    %swap3A_110 = vector.shape_cast %while3A_15#15 : vector<16xf32> to vector<1x16xf32>
    tpu.vector_store %arg14[%swap3A_106, %swap3A_107], %swap3A_110 {strides = array<i32>} : memref<8x128xf32, #tpu.memory_space<vmem>>, vector<1x16xf32>,
    "tpu.region"() ({
      %run_scoped3A = tpu.sem_alloc : memref<!tpu.dma_semaphore, #tpu.memory_space<semaphore_mem>>
      %dma_start3A = arith.constant 0 : i32
      %dma_start3A_111 = arith.constant 0 : i32
      %dma_start3A_112 = tpu.memref_slice %arg8[%add3A, %dma_start3A, %dma_start3A_111] : memref<32x8x128xf32, #tpu.memory_space<hbm>> -> memref<1x8x128xf32, #tpu.memory_space<hbm>>
      %dma_start3A_113 = tpu.memref_squeeze %dma_start3A_112 : memref<1x8x128xf32, #tpu.memory_space<hbm>> -> memref<8x128xf32, #tpu.memory_space<hbm>>
      %dma_start3A_114 = arith.constant 0 : i32
      %dma_start3A_115 = arith.constant 0 : i32
      %dma_start3A_116 = tpu.memref_slice %arg8[%add3A, %dma_start3A_114, %dma_start3A_115] : memref<32x8x128xf32, #tpu.memory_space<hbm>> -> memref<1x8x128xf32, #tpu.memory_space<hbm>>
      %dma_start3A_117 = tpu.memref_squeeze %dma_start3A_116 : memref<1x8x128xf32, #tpu.memory_space<hbm>> -> memref<8x128xf32, #tpu.memory_space<hbm>>
      tpu.enqueue_dma source(%arg14 : memref<8x128xf32, #tpu.memory_space<vmem>>) target(%dma_start3A_117 : memref<8x128xf32, #tpu.memory_space<hbm>>) target_semaphore(%run_scoped3A : memref<!tpu.dma_semaphore, #tpu.memory_space<semaphore_mem>>)
      %dma_wait3A = arith.constant 0 : i32
      %dma_wait3A_118 = arith.constant 0 : i32
      %dma_wait3A_119 = tpu.memref_slice %arg8[%add3A, %dma_wait3A, %dma_wait3A_118] : memref<32x8x128xf32, #tpu.memory_space<hbm>> -> memref<1x8x128xf32, #tpu.memory_space<hbm>>
      %dma_wait3A_120 = tpu.memref_squeeze %dma_wait3A_119 : memref<1x8x128xf32, #tpu.memory_space<hbm>> -> memref<8x128xf32, #tpu.memory_space<hbm>>
      %dma_wait3A_121 = arith.constant 0 : i32
      %dma_wait3A_122 = arith.constant 0 : i32
      %dma_wait3A_123 = tpu.memref_slice %arg8[%add3A, %dma_wait3A_121, %dma_wait3A_122] : memref<32x8x128xf32, #tpu.memory_space<hbm>> -> memref<1x8x128xf32, #tpu.memory_space<hbm>>
      %dma_wait3A_124 = tpu.memref_squeeze %dma_wait3A_123 : memref<1x8x128xf32, #tpu.memory_space<hbm>> -> memref<8x128xf32, #tpu.memory_space<hbm>>
      tpu.wait_dma2 semaphore(%run_scoped3A : memref<!tpu.dma_semaphore, #tpu.memory_space<semaphore_mem>>) src(%arg14 : memref<8x128xf32, #tpu.memory_space<vmem>>) dst(%dma_wait3A_124 : memref<8x128xf32, #tpu.memory_space<hbm>>)
      tpu.yield
    }) : () -> ()
    return
  }
}

module attributes {stable_mosaic.version = 14 : i64} {
  func.func @_proj_pred_body(%arg0: i32, %arg1: memref<4000x128xf32, #tpu.memory_space<vmem>>, %arg2: memref<128x128xf32, #tpu.memory_space<vmem>>, %arg3: memref<1x128xf32, #tpu.memory_space<vmem>>, %arg4: memref<4000x128xf32, #tpu.memory_space<vmem>>) attributes {dimension_semantics = [#tpu.dimension_semantics<arbitrary>], iteration_bounds = array<i64: 40>, scalar_prefetch = 0 : i64, scratch_operands = 0 : i64, tpu.core_type = #tpu.core_type<tc>, window_params = [{transform_indices = @transform_0, window_bounds = array<i64: 4000, 128>}, {pipeline_mode = #tpu.pipeline_mode<synchronous>, transform_indices = @transform_1, window_bounds = array<i64: 128, 128>}, {pipeline_mode = #tpu.pipeline_mode<synchronous>, transform_indices = @transform_2, window_bounds = array<i64: 1, 128>}, {transform_indices = @transform_3, window_bounds = array<i64: 4000, 128>}]} {
    %get3A = arith.constant 0 : index
    %get3A_0 = arith.constant 0 : index
    %get3A_1 = vector.load %arg1[%get3A, %get3A_0] : memref<4000x128xf32, #tpu.memory_space<vmem>>, vector<4000x128xf32>
    %get3A_2 = arith.constant 0 : index
    %get3A_3 = arith.constant 0 : index
    %get3A_4 = vector.load %arg2[%get3A_2, %get3A_3] : memref<128x128xf32, #tpu.memory_space<vmem>>, vector<128x128xf32>
    %dot_general3A = arith.constant dense<0.000000e+00> : vector<4000x128xf32>
    %dot_general3A_5 = tpu.matmul %get3A_1, %get3A_4, %dot_general3A {dimension_numbers = #tpu.dot_dimension_numbers<[1], [0], [0], [1], [0, 0, 1, 1], [], []>, transpose_lhs_hint = false} : vector<4000x128xf32>, vector<128x128xf32>, vector<4000x128xf32> -> vector<4000x128xf32>
    %get3A_6 = arith.constant 0 : index
    %get3A_7 = arith.constant 0 : index
    %get3A_8 = vector.load %arg3[%get3A_6, %get3A_7] : memref<1x128xf32, #tpu.memory_space<vmem>>, vector<1x128xf32>
    %add3A = vector.broadcast %get3A_8 : vector<1x128xf32> to vector<4000x128xf32>
    %add3A_9 = arith.addf %dot_general3A_5, %add3A : vector<4000x128xf32>
    %swap3A = arith.constant 0 : index
    %swap3A_10 = arith.constant 0 : index
    %swap3A_11 = vector.load %arg4[%swap3A, %swap3A_10] : memref<4000x128xf32, #tpu.memory_space<vmem>>, vector<4000x128xf32>
    tpu.vector_store %arg4[%swap3A, %swap3A_10], %add3A_9 {strides = array<i32>} : memref<4000x128xf32, #tpu.memory_space<vmem>>, vector<4000x128xf32>,
    return
  }
  func.func @transform_0(%arg0: i32) -> (i32, i32) {
    %c0_i32 = arith.constant 0 : i32
    %c0_i32_0 = arith.constant 0 : i32
    return %arg0, %c0_i32 : i32, i32
  }
  func.func @transform_1(%arg0: i32) -> (i32, i32) {
    %c0_i32 = arith.constant 0 : i32
    %c0_i32_0 = arith.constant 0 : i32
    %c0_i32_1 = arith.constant 0 : i32
    return %c0_i32, %c0_i32_0 : i32, i32
  }
  func.func @transform_2(%arg0: i32) -> (i32, i32) {
    %c0_i32 = arith.constant 0 : i32
    %c0_i32_0 = arith.constant 0 : i32
    %c0_i32_1 = arith.constant 0 : i32
    return %c0_i32, %c0_i32_0 : i32, i32
  }
  func.func @transform_3(%arg0: i32) -> (i32, i32) {
    %c0_i32 = arith.constant 0 : i32
    %c0_i32_0 = arith.constant 0 : i32
    return %arg0, %c0_i32 : i32, i32
  }
}

module attributes {stable_mosaic.version = 14 : i64} {
  func.func @_proj_nodes_body(%arg0: i32, %arg1: memref<5000x128xf32, #tpu.memory_space<vmem>>, %arg2: memref<128x128xf32, #tpu.memory_space<vmem>>, %arg3: memref<128x128xf32, #tpu.memory_space<vmem>>, %arg4: memref<5000x128xf32, #tpu.memory_space<vmem>>, %arg5: memref<5000x128xf32, #tpu.memory_space<vmem>>) attributes {dimension_semantics = [#tpu.dimension_semantics<arbitrary>], iteration_bounds = array<i64: 2>, scalar_prefetch = 0 : i64, scratch_operands = 0 : i64, tpu.core_type = #tpu.core_type<tc>, window_params = [{transform_indices = @transform_0, window_bounds = array<i64: 5000, 128>}, {pipeline_mode = #tpu.pipeline_mode<synchronous>, transform_indices = @transform_1, window_bounds = array<i64: 128, 128>}, {pipeline_mode = #tpu.pipeline_mode<synchronous>, transform_indices = @transform_2, window_bounds = array<i64: 128, 128>}, {transform_indices = @transform_3, window_bounds = array<i64: 5000, 128>}, {transform_indices = @transform_4, window_bounds = array<i64: 5000, 128>}]} {
    %get3A = arith.constant 0 : index
    %get3A_0 = arith.constant 0 : index
    %get3A_1 = vector.load %arg1[%get3A, %get3A_0] : memref<5000x128xf32, #tpu.memory_space<vmem>>, vector<5000x128xf32>
    %get3A_2 = arith.constant 0 : index
    %get3A_3 = arith.constant 0 : index
    %get3A_4 = vector.load %arg2[%get3A_2, %get3A_3] : memref<128x128xf32, #tpu.memory_space<vmem>>, vector<128x128xf32>
    %dot_general3A = arith.constant dense<0.000000e+00> : vector<5000x128xf32>
    %dot_general3A_5 = tpu.matmul %get3A_1, %get3A_4, %dot_general3A {dimension_numbers = #tpu.dot_dimension_numbers<[1], [0], [0], [1], [0, 0, 1, 1], [], []>, transpose_lhs_hint = false} : vector<5000x128xf32>, vector<128x128xf32>, vector<5000x128xf32> -> vector<5000x128xf32>
    %swap3A = arith.constant 0 : index
    %swap3A_6 = arith.constant 0 : index
    %swap3A_7 = vector.load %arg4[%swap3A, %swap3A_6] : memref<5000x128xf32, #tpu.memory_space<vmem>>, vector<5000x128xf32>
    tpu.vector_store %arg4[%swap3A, %swap3A_6], %dot_general3A_5 {strides = array<i32>} : memref<5000x128xf32, #tpu.memory_space<vmem>>, vector<5000x128xf32>,
    %get3A_8 = arith.constant 0 : index
    %get3A_9 = arith.constant 0 : index
    %get3A_10 = vector.load %arg3[%get3A_8, %get3A_9] : memref<128x128xf32, #tpu.memory_space<vmem>>, vector<128x128xf32>
    %dot_general3A_11 = arith.constant dense<0.000000e+00> : vector<5000x128xf32>
    %dot_general3A_12 = tpu.matmul %get3A_1, %get3A_10, %dot_general3A_11 {dimension_numbers = #tpu.dot_dimension_numbers<[1], [0], [0], [1], [0, 0, 1, 1], [], []>, transpose_lhs_hint = false} : vector<5000x128xf32>, vector<128x128xf32>, vector<5000x128xf32> -> vector<5000x128xf32>
    %swap3A_13 = arith.constant 0 : index
    %swap3A_14 = arith.constant 0 : index
    %swap3A_15 = vector.load %arg5[%swap3A_13, %swap3A_14] : memref<5000x128xf32, #tpu.memory_space<vmem>>, vector<5000x128xf32>
    tpu.vector_store %arg5[%swap3A_13, %swap3A_14], %dot_general3A_12 {strides = array<i32>} : memref<5000x128xf32, #tpu.memory_space<vmem>>, vector<5000x128xf32>,
    return
  }
  func.func @transform_0(%arg0: i32) -> (i32, i32) {
    %c0_i32 = arith.constant 0 : i32
    %c0_i32_0 = arith.constant 0 : i32
    return %arg0, %c0_i32 : i32, i32
  }
  func.func @transform_1(%arg0: i32) -> (i32, i32) {
    %c0_i32 = arith.constant 0 : i32
    %c0_i32_0 = arith.constant 0 : i32
    %c0_i32_1 = arith.constant 0 : i32
    return %c0_i32, %c0_i32_0 : i32, i32
  }
  func.func @transform_2(%arg0: i32) -> (i32, i32) {
    %c0_i32 = arith.constant 0 : i32
    %c0_i32_0 = arith.constant 0 : i32
    %c0_i32_1 = arith.constant 0 : i32
    return %c0_i32, %c0_i32_0 : i32, i32
  }
  func.func @transform_3(%arg0: i32) -> (i32, i32) {
    %c0_i32 = arith.constant 0 : i32
    %c0_i32_0 = arith.constant 0 : i32
    return %arg0, %c0_i32 : i32, i32
  }
  func.func @transform_4(%arg0: i32) -> (i32, i32) {
    %c0_i32 = arith.constant 0 : i32
    %c0_i32_0 = arith.constant 0 : i32
    return %arg0, %c0_i32 : i32, i32
  }
}

module attributes {stable_mosaic.version = 14 : i64} {
  func.func @_bn1_affine_body(%arg0: memref<32x8x128xf32, #tpu.memory_space<vmem>>, %arg1: memref<1x128xf32, #tpu.memory_space<vmem>>, %arg2: memref<1x128xf32, #tpu.memory_space<vmem>>, %arg3: memref<1x128xf32, #tpu.memory_space<vmem>>, %arg4: memref<1x128xf32, #tpu.memory_space<vmem>>) attributes {dimension_semantics = [], scalar_prefetch = 0 : i64, scratch_operands = 0 : i64, tpu.core_type = #tpu.core_type<tc>} {
    %get3A = arith.constant 0 : index
    %get3A_0 = arith.constant 0 : index
    %get3A_1 = arith.constant 0 : index
    %get3A_2 = vector.load %arg0[%get3A, %get3A_0, %get3A_1] : memref<32x8x128xf32, #tpu.memory_space<vmem>>, vector<32x1x128xf32>
    %get3A_3 = vector.shape_cast %get3A_2 : vector<32x1x128xf32> to vector<32x128xf32>
    %reduce_sum3A = arith.constant dense<0.000000e+00> : vector<128xf32>
    %reduce_sum3A_4 = vector.multi_reduction <add>, %get3A_3, %reduce_sum3A [0] : vector<32x128xf32> to vector<128xf32>
    %broadcast_in_dim3A = vector.shape_cast %reduce_sum3A_4 : vector<128xf32> to vector<1x128xf32>
    %get3A_5 = arith.constant 0 : index
    %get3A_6 = arith.constant 1 : index
    %get3A_7 = arith.constant 0 : index
    %get3A_8 = vector.load %arg0[%get3A_5, %get3A_6, %get3A_7] : memref<32x8x128xf32, #tpu.memory_space<vmem>>, vector<32x1x128xf32>
    %get3A_9 = vector.shape_cast %get3A_8 : vector<32x1x128xf32> to vector<32x128xf32>
    %reduce_sum3A_10 = arith.constant dense<0.000000e+00> : vector<128xf32>
    %reduce_sum3A_11 = vector.multi_reduction <add>, %get3A_9, %reduce_sum3A_10 [0] : vector<32x128xf32> to vector<128xf32>
    %broadcast_in_dim3A_12 = vector.shape_cast %reduce_sum3A_11 : vector<128xf32> to vector<1x128xf32>
    %div3A = arith.constant 1.600000e+05 : f32
    %div3A_13 = vector.broadcast %div3A : f32 to vector<1x128xf32>
    %div3A_14 = arith.divf %broadcast_in_dim3A, %div3A_13 : vector<1x128xf32>
    %div3A_15 = arith.constant 1.600000e+05 : f32
    %div3A_16 = vector.broadcast %div3A_15 : f32 to vector<1x128xf32>
    %div3A_17 = arith.divf %broadcast_in_dim3A_12, %div3A_16 : vector<1x128xf32>
    %mul3A = arith.mulf %div3A_14, %div3A_14 : vector<1x128xf32>
    %sub3A = arith.subf %div3A_17, %mul3A : vector<1x128xf32>
    %get3A_18 = arith.constant 0 : index
    %get3A_19 = arith.constant 0 : index
    %get3A_20 = vector.load %arg1[%get3A_18, %get3A_19] : memref<1x128xf32, #tpu.memory_space<vmem>>, vector<1x128xf32>
    %add3A = arith.constant 1.000000e-03 : f32
    %add3A_21 = vector.broadcast %add3A : f32 to vector<1x128xf32>
    %add3A_22 = arith.addf %sub3A, %add3A_21 : vector<1x128xf32>
    %rsqrt3A = math.rsqrt %add3A_22 : vector<1x128xf32>
    %mul3A_23 = arith.mulf %get3A_20, %rsqrt3A : vector<1x128xf32>
    %swap3A = arith.constant 0 : index
    %swap3A_24 = arith.constant 0 : index
    %swap3A_25 = vector.load %arg3[%swap3A, %swap3A_24] : memref<1x128xf32, #tpu.memory_space<vmem>>, vector<1x128xf32>
    tpu.vector_store %arg3[%swap3A, %swap3A_24], %mul3A_23 {strides = array<i32>} : memref<1x128xf32, #tpu.memory_space<vmem>>, vector<1x128xf32>,
    %get3A_26 = arith.constant 0 : index
    %get3A_27 = arith.constant 0 : index
    %get3A_28 = vector.load %arg2[%get3A_26, %get3A_27] : memref<1x128xf32, #tpu.memory_space<vmem>>, vector<1x128xf32>
    %mul3A_29 = arith.mulf %div3A_14, %mul3A_23 : vector<1x128xf32>
    %sub3A_30 = arith.subf %get3A_28, %mul3A_29 : vector<1x128xf32>
    %swap3A_31 = arith.constant 0 : index
    %swap3A_32 = arith.constant 0 : index
    %swap3A_33 = vector.load %arg4[%swap3A_31, %swap3A_32] : memref<1x128xf32, #tpu.memory_space<vmem>>, vector<1x128xf32>
    tpu.vector_store %arg4[%swap3A_31, %swap3A_32], %sub3A_30 {strides = array<i32>} : memref<1x128xf32, #tpu.memory_space<vmem>>, vector<1x128xf32>,
    return
  }
}

module attributes {stable_mosaic.version = 14 : i64} {
  func.func @_gram_body(%arg0: i32, %arg1: memref<4000x128xf32, #tpu.memory_space<vmem>>, %arg2: memref<1x128xf32, #tpu.memory_space<vmem>>, %arg3: memref<1x128xf32, #tpu.memory_space<vmem>>, %arg4: memref<1x128xf32, #tpu.memory_space<vmem>>, %arg5: memref<128x128xf32, #tpu.memory_space<vmem>>, %arg6: memref<1x128xf32, #tpu.memory_space<vmem>>, %arg7: memref<128x128xf32, #tpu.memory_space<vmem>>) attributes {dimension_semantics = [#tpu.dimension_semantics<arbitrary>], iteration_bounds = array<i64: 40>, scalar_prefetch = 0 : i64, scratch_operands = 2 : i64, tpu.core_type = #tpu.core_type<tc>, window_params = [{transform_indices = @transform_0, window_bounds = array<i64: 4000, 128>}, {pipeline_mode = #tpu.pipeline_mode<synchronous>, transform_indices = @transform_1, window_bounds = array<i64: 1, 128>}, {pipeline_mode = #tpu.pipeline_mode<synchronous>, transform_indices = @transform_2, window_bounds = array<i64: 1, 128>}, {pipeline_mode = #tpu.pipeline_mode<synchronous>, transform_indices = @transform_3, window_bounds = array<i64: 1, 128>}, {pipeline_mode = #tpu.pipeline_mode<synchronous>, transform_indices = @transform_4, window_bounds = array<i64: 128, 128>}]} {
    %eq3A = arith.constant 0 : i32
    %eq3A_0 = arith.cmpi eq, %arg0, %eq3A : i32
    %convert_element_type3A = arith.extui %eq3A_0 : i1 to i32
    %cond3A = arith.constant 0 : i32
    %cond3A_1 = arith.cmpi ne, %convert_element_type3A, %cond3A : i32
    scf.if %cond3A_1 {
      %broadcast_in_dim3A_37 = arith.constant 0.000000e+00 : f32
      %broadcast_in_dim3A_38 = vector.broadcast %broadcast_in_dim3A_37 : f32 to vector<1x128xf32>
      %swap3A_39 = arith.constant 0 : index
      %swap3A_40 = arith.constant 0 : index
      %swap3A_41 = vector.load %arg6[%swap3A_39, %swap3A_40] : memref<1x128xf32, #tpu.memory_space<vmem>>, vector<1x128xf32>
      tpu.vector_store %arg6[%swap3A_39, %swap3A_40], %broadcast_in_dim3A_38 {strides = array<i32>} : memref<1x128xf32, #tpu.memory_space<vmem>>, vector<1x128xf32>,
      %broadcast_in_dim3A_42 = arith.constant 0.000000e+00 : f32
      %broadcast_in_dim3A_43 = vector.broadcast %broadcast_in_dim3A_42 : f32 to vector<128x128xf32>
      %swap3A_44 = arith.constant 0 : index
      %swap3A_45 = arith.constant 0 : index
      %swap3A_46 = vector.load %arg7[%swap3A_44, %swap3A_45] : memref<128x128xf32, #tpu.memory_space<vmem>>, vector<128x128xf32>
      tpu.vector_store %arg7[%swap3A_44, %swap3A_45], %broadcast_in_dim3A_43 {strides = array<i32>} : memref<128x128xf32, #tpu.memory_space<vmem>>, vector<128x128xf32>,
    } else {
    }
    %get3A = arith.constant 0 : index
    %get3A_2 = arith.constant 0 : index
    %get3A_3 = vector.load %arg1[%get3A, %get3A_2] : memref<4000x128xf32, #tpu.memory_space<vmem>>, vector<4000x128xf32>
    %get3A_4 = arith.constant 0 : index
    %get3A_5 = arith.constant 0 : index
    %get3A_6 = vector.load %arg2[%get3A_4, %get3A_5] : memref<1x128xf32, #tpu.memory_space<vmem>>, vector<1x128xf32>
    %mul3A = vector.broadcast %get3A_6 : vector<1x128xf32> to vector<4000x128xf32>
    %mul3A_7 = arith.mulf %get3A_3, %mul3A : vector<4000x128xf32>
    %get3A_8 = arith.constant 0 : index
    %get3A_9 = arith.constant 0 : index
    %get3A_10 = vector.load %arg3[%get3A_8, %get3A_9] : memref<1x128xf32, #tpu.memory_space<vmem>>, vector<1x128xf32>
    %add3A = vector.broadcast %get3A_10 : vector<1x128xf32> to vector<4000x128xf32>
    %add3A_11 = arith.addf %mul3A_7, %add3A : vector<4000x128xf32>
    %ge3A = arith.constant 0.000000e+00 : f32
    %ge3A_12 = vector.broadcast %ge3A : f32 to vector<4000x128xf32>
    %ge3A_13 = arith.cmpf oge, %add3A_11, %ge3A_12 : vector<4000x128xf32>
    %mul3A_14 = arith.constant 2.000000e-01 : f32
    %mul3A_15 = vector.broadcast %mul3A_14 : f32 to vector<4000x128xf32>
    %mul3A_16 = arith.mulf %mul3A_15, %add3A_11 : vector<4000x128xf32>
    %select_n3A = arith.select %ge3A_13, %add3A_11, %mul3A_16 : vector<4000x128xi1>, vector<4000x128xf32>
    %get3A_17 = arith.constant 0 : index
    %get3A_18 = arith.constant 0 : index
    %get3A_19 = vector.load %arg6[%get3A_17, %get3A_18] : memref<1x128xf32, #tpu.memory_space<vmem>>, vector<1x128xf32>
    %reduce_sum3A = arith.constant dense<0.000000e+00> : vector<128xf32>
    %reduce_sum3A_20 = vector.multi_reduction <add>, %select_n3A, %reduce_sum3A [0] : vector<4000x128xf32> to vector<128xf32>
    %broadcast_in_dim3A = vector.shape_cast %reduce_sum3A_20 : vector<128xf32> to vector<1x128xf32>
    %add3A_21 = arith.addf %get3A_19, %broadcast_in_dim3A : vector<1x128xf32>
    %swap3A = arith.constant 0 : index
    %swap3A_22 = arith.constant 0 : index
    %swap3A_23 = vector.load %arg6[%swap3A, %swap3A_22] : memref<1x128xf32, #tpu.memory_space<vmem>>, vector<1x128xf32>
    tpu.vector_store %arg6[%swap3A, %swap3A_22], %add3A_21 {strides = array<i32>} : memref<1x128xf32, #tpu.memory_space<vmem>>, vector<1x128xf32>,
    %get3A_24 = arith.constant 0 : index
    %get3A_25 = arith.constant 0 : index
    %get3A_26 = vector.load %arg7[%get3A_24, %get3A_25] : memref<128x128xf32, #tpu.memory_space<vmem>>, vector<128x128xf32>
    %dot_general3A = arith.constant dense<0.000000e+00> : vector<128x128xf32>
    %dot_general3A_27 = tpu.matmul %select_n3A, %select_n3A, %dot_general3A {dimension_numbers = #tpu.dot_dimension_numbers<[0], [0], [1], [1], [0, 1, 1, 1], [], []>, transpose_lhs_hint = false} : vector<4000x128xf32>, vector<4000x128xf32>, vector<128x128xf32> -> vector<128x128xf32>
    %add3A_28 = arith.addf %get3A_26, %dot_general3A_27 : vector<128x128xf32>
    %swap3A_29 = arith.constant 0 : index
    %swap3A_30 = arith.constant 0 : index
    %swap3A_31 = vector.load %arg7[%swap3A_29, %swap3A_30] : memref<128x128xf32, #tpu.memory_space<vmem>>, vector<128x128xf32>
    tpu.vector_store %arg7[%swap3A_29, %swap3A_30], %add3A_28 {strides = array<i32>} : memref<128x128xf32, #tpu.memory_space<vmem>>, vector<128x128xf32>,
    %eq3A_32 = arith.constant 39 : i32
    %eq3A_33 = arith.cmpi eq, %arg0, %eq3A_32 : i32
    %convert_element_type3A_34 = arith.extui %eq3A_33 : i1 to i32
    %cond3A_35 = arith.constant 0 : i32
    %cond3A_36 = arith.cmpi ne, %convert_element_type3A_34, %cond3A_35 : i32
    scf.if %cond3A_36 {
      %get3A_37 = arith.constant 0 : index
      %get3A_38 = arith.constant 0 : index
      %get3A_39 = vector.load %arg6[%get3A_37, %get3A_38] : memref<1x128xf32, #tpu.memory_space<vmem>>, vector<1x128xf32>
      %swap3A_40 = arith.constant 0 : index
      %swap3A_41 = arith.constant 0 : index
      %swap3A_42 = vector.load %arg4[%swap3A_40, %swap3A_41] : memref<1x128xf32, #tpu.memory_space<vmem>>, vector<1x128xf32>
      tpu.vector_store %arg4[%swap3A_40, %swap3A_41], %get3A_39 {strides = array<i32>} : memref<1x128xf32, #tpu.memory_space<vmem>>, vector<1x128xf32>,
      %get3A_43 = arith.constant 0 : index
      %get3A_44 = arith.constant 0 : index
      %get3A_45 = vector.load %arg7[%get3A_43, %get3A_44] : memref<128x128xf32, #tpu.memory_space<vmem>>, vector<128x128xf32>
      %swap3A_46 = arith.constant 0 : index
      %swap3A_47 = arith.constant 0 : index
      %swap3A_48 = vector.load %arg5[%swap3A_46, %swap3A_47] : memref<128x128xf32, #tpu.memory_space<vmem>>, vector<128x128xf32>
      tpu.vector_store %arg5[%swap3A_46, %swap3A_47], %get3A_45 {strides = array<i32>} : memref<128x128xf32, #tpu.memory_space<vmem>>, vector<128x128xf32>,
    } else {
    }
    return
  }
  func.func @transform_0(%arg0: i32) -> (i32, i32) {
    %c0_i32 = arith.constant 0 : i32
    %c0_i32_0 = arith.constant 0 : i32
    return %arg0, %c0_i32 : i32, i32
  }
  func.func @transform_1(%arg0: i32) -> (i32, i32) {
    %c0_i32 = arith.constant 0 : i32
    %c0_i32_0 = arith.constant 0 : i32
    %c0_i32_1 = arith.constant 0 : i32
    return %c0_i32, %c0_i32_0 : i32, i32
  }
  func.func @transform_2(%arg0: i32) -> (i32, i32) {
    %c0_i32 = arith.constant 0 : i32
    %c0_i32_0 = arith.constant 0 : i32
    %c0_i32_1 = arith.constant 0 : i32
    return %c0_i32, %c0_i32_0 : i32, i32
  }
  func.func @transform_3(%arg0: i32) -> (i32, i32) {
    %c0_i32 = arith.constant 0 : i32
    %c0_i32_0 = arith.constant 0 : i32
    %c0_i32_1 = arith.constant 0 : i32
    return %c0_i32, %c0_i32_0 : i32, i32
  }
  func.func @transform_4(%arg0: i32) -> (i32, i32) {
    %c0_i32 = arith.constant 0 : i32
    %c0_i32_0 = arith.constant 0 : i32
    %c0_i32_1 = arith.constant 0 : i32
    return %c0_i32, %c0_i32_0 : i32, i32
  }
}

module attributes {stable_mosaic.version = 14 : i64} {
  func.func @_bn2_affine_body(%arg0: memref<1x128xf32, #tpu.memory_space<vmem>>, %arg1: memref<128x128xf32, #tpu.memory_space<vmem>>, %arg2: memref<128x384xf32, #tpu.memory_space<vmem>>, %arg3: memref<1x384xf32, #tpu.memory_space<vmem>>, %arg4: memref<1x384xf32, #tpu.memory_space<vmem>>, %arg5: memref<1x384xf32, #tpu.memory_space<vmem>>, %arg6: memref<1x384xf32, #tpu.memory_space<vmem>>, %arg7: memref<1x384xf32, #tpu.memory_space<vmem>>) attributes {dimension_semantics = [], scalar_prefetch = 0 : i64, scratch_operands = 0 : i64, tpu.core_type = #tpu.core_type<tc>} {
    %get3A = arith.constant 0 : index
    %get3A_0 = arith.constant 0 : index
    %get3A_1 = vector.load %arg0[%get3A, %get3A_0] : memref<1x128xf32, #tpu.memory_space<vmem>>, vector<1x128xf32>
    %div3A = arith.constant 1.600000e+05 : f32
    %div3A_2 = vector.broadcast %div3A : f32 to vector<1x128xf32>
    %div3A_3 = arith.divf %get3A_1, %div3A_2 : vector<1x128xf32>
    %get3A_4 = arith.constant 0 : index
    %get3A_5 = arith.constant 0 : index
    %get3A_6 = vector.load %arg1[%get3A_4, %get3A_5] : memref<128x128xf32, #tpu.memory_space<vmem>>, vector<128x128xf32>
    %div3A_7 = arith.constant 1.600000e+05 : f32
    %div3A_8 = vector.broadcast %div3A_7 : f32 to vector<128x128xf32>
    %div3A_9 = arith.divf %get3A_6, %div3A_8 : vector<128x128xf32>
    %transpose3A = tpu.transpose %div3A_3, [1, 0] : vector<1x128xf32> -> vector<128x1xf32>
    %mul3A = vector.broadcast %transpose3A : vector<128x1xf32> to vector<128x128xf32>
    %mul3A_10 = vector.broadcast %div3A_3 : vector<1x128xf32> to vector<128x128xf32>
    %mul3A_11 = arith.mulf %mul3A, %mul3A_10 : vector<128x128xf32>
    %sub3A = arith.subf %div3A_9, %mul3A_11 : vector<128x128xf32>
    %get3A_12 = arith.constant 0 : index
    %get3A_13 = arith.constant 0 : index
    %get3A_14 = vector.load %arg2[%get3A_12, %get3A_13] : memref<128x384xf32, #tpu.memory_space<vmem>>, vector<128x384xf32>
    %dot_general3A = arith.constant dense<0.000000e+00> : vector<128x384xf32>
    %dot_general3A_15 = tpu.matmul %sub3A, %get3A_14, %dot_general3A {dimension_numbers = #tpu.dot_dimension_numbers<[1], [0], [0], [1], [0, 0, 1, 1], [], []>, transpose_lhs_hint = false} : vector<128x128xf32>, vector<128x384xf32>, vector<128x384xf32> -> vector<128x384xf32>
    %mul3A_16 = arith.mulf %get3A_14, %dot_general3A_15 : vector<128x384xf32>
    %reduce_sum3A = arith.constant dense<0.000000e+00> : vector<384xf32>
    %reduce_sum3A_17 = vector.multi_reduction <add>, %mul3A_16, %reduce_sum3A [0] : vector<128x384xf32> to vector<384xf32>
    %broadcast_in_dim3A = vector.shape_cast %reduce_sum3A_17 : vector<384xf32> to vector<1x384xf32>
    %dot_general3A_18 = arith.constant dense<0.000000e+00> : vector<1x384xf32>
    %dot_general3A_19 = tpu.matmul %div3A_3, %get3A_14, %dot_general3A_18 {dimension_numbers = #tpu.dot_dimension_numbers<[1], [0], [0], [1], [0, 0, 1, 1], [], []>, transpose_lhs_hint = false} : vector<1x128xf32>, vector<128x384xf32>, vector<1x384xf32> -> vector<1x384xf32>
    %get3A_20 = arith.constant 0 : index
    %get3A_21 = arith.constant 0 : index
    %get3A_22 = vector.load %arg3[%get3A_20, %get3A_21] : memref<1x384xf32, #tpu.memory_space<vmem>>, vector<1x384xf32>
    %add3A = arith.addf %dot_general3A_19, %get3A_22 : vector<1x384xf32>
    %get3A_23 = arith.constant 0 : index
    %get3A_24 = arith.constant 0 : index
    %get3A_25 = vector.load %arg4[%get3A_23, %get3A_24] : memref<1x384xf32, #tpu.memory_space<vmem>>, vector<1x384xf32>
    %add3A_26 = arith.constant 1.000000e-03 : f32
    %add3A_27 = vector.broadcast %add3A_26 : f32 to vector<1x384xf32>
    %add3A_28 = arith.addf %broadcast_in_dim3A, %add3A_27 : vector<1x384xf32>
    %rsqrt3A = math.rsqrt %add3A_28 : vector<1x384xf32>
    %mul3A_29 = arith.mulf %get3A_25, %rsqrt3A : vector<1x384xf32>
    %swap3A = arith.constant 0 : index
    %swap3A_30 = arith.constant 0 : index
    %swap3A_31 = vector.load %arg6[%swap3A, %swap3A_30] : memref<1x384xf32, #tpu.memory_space<vmem>>, vector<1x384xf32>
    tpu.vector_store %arg6[%swap3A, %swap3A_30], %mul3A_29 {strides = array<i32>} : memref<1x384xf32, #tpu.memory_space<vmem>>, vector<1x384xf32>,
    %get3A_32 = arith.constant 0 : index
    %get3A_33 = arith.constant 0 : index
    %get3A_34 = vector.load %arg5[%get3A_32, %get3A_33] : memref<1x384xf32, #tpu.memory_space<vmem>>, vector<1x384xf32>
    %mul3A_35 = arith.mulf %add3A, %mul3A_29 : vector<1x384xf32>
    %sub3A_36 = arith.subf %get3A_34, %mul3A_35 : vector<1x384xf32>
    %swap3A_37 = arith.constant 0 : index
    %swap3A_38 = arith.constant 0 : index
    %swap3A_39 = vector.load %arg7[%swap3A_37, %swap3A_38] : memref<1x384xf32, #tpu.memory_space<vmem>>, vector<1x384xf32>
    tpu.vector_store %arg7[%swap3A_37, %swap3A_38], %sub3A_36 {strides = array<i32>} : memref<1x384xf32, #tpu.memory_space<vmem>>, vector<1x384xf32>,
    return
  }
}

module attributes {stable_mosaic.version = 14 : i64} {
  func.func @_edge_out_body(%arg0: i32, %arg1: memref<3200x128xf32, #tpu.memory_space<vmem>>, %arg2: memref<1x128xf32, #tpu.memory_space<vmem>>, %arg3: memref<1x128xf32, #tpu.memory_space<vmem>>, %arg4: memref<128x384xf32, #tpu.memory_space<vmem>>, %arg5: memref<1x384xf32, #tpu.memory_space<vmem>>, %arg6: memref<1x384xf32, #tpu.memory_space<vmem>>, %arg7: memref<100x64x144xf32, #tpu.memory_space<vmem>>, %arg8: memref<3200x128xf32, #tpu.memory_space<vmem>>) attributes {dimension_semantics = [#tpu.dimension_semantics<arbitrary>], iteration_bounds = array<i64: 50>, scalar_prefetch = 0 : i64, scratch_operands = 0 : i64, tpu.core_type = #tpu.core_type<tc>, window_params = [{transform_indices = @transform_0, window_bounds = array<i64: 3200, 128>}, {pipeline_mode = #tpu.pipeline_mode<synchronous>, transform_indices = @transform_1, window_bounds = array<i64: 1, 128>}, {pipeline_mode = #tpu.pipeline_mode<synchronous>, transform_indices = @transform_2, window_bounds = array<i64: 1, 128>}, {pipeline_mode = #tpu.pipeline_mode<synchronous>, transform_indices = @transform_3, window_bounds = array<i64: 128, 384>}, {pipeline_mode = #tpu.pipeline_mode<synchronous>, transform_indices = @transform_4, window_bounds = array<i64: 1, 384>}, {pipeline_mode = #tpu.pipeline_mode<synchronous>, transform_indices = @transform_5, window_bounds = array<i64: 1, 384>}, {transform_indices = @transform_6, window_bounds = array<i64: 100, 64, 144>}, {transform_indices = @transform_7, window_bounds = array<i64: 3200, 128>}]} {
    %get3A = arith.constant 0 : index
    %get3A_0 = arith.constant 0 : index
    %get3A_1 = vector.load %arg1[%get3A, %get3A_0] : memref<3200x128xf32, #tpu.memory_space<vmem>>, vector<3200x128xf32>
    %get3A_2 = arith.constant 0 : index
    %get3A_3 = arith.constant 0 : index
    %get3A_4 = vector.load %arg2[%get3A_2, %get3A_3] : memref<1x128xf32, #tpu.memory_space<vmem>>, vector<1x128xf32>
    %mul3A = vector.broadcast %get3A_4 : vector<1x128xf32> to vector<3200x128xf32>
    %mul3A_5 = arith.mulf %get3A_1, %mul3A : vector<3200x128xf32>
    %get3A_6 = arith.constant 0 : index
    %get3A_7 = arith.constant 0 : index
    %get3A_8 = vector.load %arg3[%get3A_6, %get3A_7] : memref<1x128xf32, #tpu.memory_space<vmem>>, vector<1x128xf32>
    %add3A = vector.broadcast %get3A_8 : vector<1x128xf32> to vector<3200x128xf32>
    %add3A_9 = arith.addf %mul3A_5, %add3A : vector<3200x128xf32>
    %ge3A = arith.constant 0.000000e+00 : f32
    %ge3A_10 = vector.broadcast %ge3A : f32 to vector<3200x128xf32>
    %ge3A_11 = arith.cmpf oge, %add3A_9, %ge3A_10 : vector<3200x128xf32>
    %mul3A_12 = arith.constant 2.000000e-01 : f32
    %mul3A_13 = vector.broadcast %mul3A_12 : f32 to vector<3200x128xf32>
    %mul3A_14 = arith.mulf %mul3A_13, %add3A_9 : vector<3200x128xf32>
    %select_n3A = arith.select %ge3A_11, %add3A_9, %mul3A_14 : vector<3200x128xi1>, vector<3200x128xf32>
    %get3A_15 = arith.constant 0 : index
    %get3A_16 = arith.constant 0 : index
    %get3A_17 = vector.load %arg4[%get3A_15, %get3A_16] : memref<128x384xf32, #tpu.memory_space<vmem>>, vector<128x384xf32>
    %dot_general3A = arith.constant dense<0.000000e+00> : vector<3200x384xf32>
    %dot_general3A_18 = tpu.matmul %select_n3A, %get3A_17, %dot_general3A {dimension_numbers = #tpu.dot_dimension_numbers<[1], [0], [0], [1], [0, 0, 1, 1], [], []>, transpose_lhs_hint = false} : vector<3200x128xf32>, vector<128x384xf32>, vector<3200x384xf32> -> vector<3200x384xf32>
    %get3A_19 = arith.constant 0 : index
    %get3A_20 = arith.constant 0 : index
    %get3A_21 = vector.load %arg5[%get3A_19, %get3A_20] : memref<1x384xf32, #tpu.memory_space<vmem>>, vector<1x384xf32>
    %mul3A_22 = vector.broadcast %get3A_21 : vector<1x384xf32> to vector<3200x384xf32>
    %mul3A_23 = arith.mulf %dot_general3A_18, %mul3A_22 : vector<3200x384xf32>
    %get3A_24 = arith.constant 0 : index
    %get3A_25 = arith.constant 0 : index
    %get3A_26 = vector.load %arg6[%get3A_24, %get3A_25] : memref<1x384xf32, #tpu.memory_space<vmem>>, vector<1x384xf32>
    %add3A_27 = vector.broadcast %get3A_26 : vector<1x384xf32> to vector<3200x384xf32>
    %add3A_28 = arith.addf %mul3A_23, %add3A_27 : vector<3200x384xf32>
    %ge3A_29 = arith.constant 0.000000e+00 : f32
    %ge3A_30 = vector.broadcast %ge3A_29 : f32 to vector<3200x384xf32>
    %ge3A_31 = arith.cmpf oge, %add3A_28, %ge3A_30 : vector<3200x384xf32>
    %mul3A_32 = arith.constant 2.000000e-01 : f32
    %mul3A_33 = vector.broadcast %mul3A_32 : f32 to vector<3200x384xf32>
    %mul3A_34 = arith.mulf %mul3A_33, %add3A_28 : vector<3200x384xf32>
    %select_n3A_35 = arith.select %ge3A_31, %add3A_28, %mul3A_34 : vector<3200x384xi1>, vector<3200x384xf32>
    %broadcast_in_dim3A = arith.constant 1.000000e+00 : f32
    %broadcast_in_dim3A_36 = vector.broadcast %broadcast_in_dim3A : f32 to vector<3200x16xf32>
    %slice3A = vector.extract_strided_slice %select_n3A_35 {offsets = [0, 0], sizes = [3200, 128], strides = [1, 1]} : vector<3200x384xf32> to vector<3200x128xf32>
    %concatenate3A = tpu.concatenate %slice3A, %broadcast_in_dim3A_36 in 1 : vector<3200x128xf32>, vector<3200x16xf32> -> vector<3200x144xf32>
    %slice3A_37 = vector.extract_strided_slice %select_n3A_35 {offsets = [0, 256], sizes = [3200, 128], strides = [1, 1]} : vector<3200x384xf32> to vector<3200x128xf32>
    %concatenate3A_38 = tpu.concatenate %slice3A_37, %broadcast_in_dim3A_36 in 1 : vector<3200x128xf32>, vector<3200x16xf32> -> vector<3200x144xf32>
    %reshape3A = vector.shape_cast %concatenate3A : vector<3200x144xf32> to vector<100x32x144xf32>
    %reshape3A_39 = vector.shape_cast %concatenate3A_38 : vector<3200x144xf32> to vector<100x32x144xf32>
    %concatenate3A_40 = tpu.concatenate %reshape3A, %reshape3A_39 in 1 : vector<100x32x144xf32>, vector<100x32x144xf32> -> vector<100x64x144xf32>
    %swap3A = arith.constant 0 : index
    %swap3A_41 = arith.constant 0 : index
    %swap3A_42 = arith.constant 0 : index
    %swap3A_43 = vector.load %arg7[%swap3A, %swap3A_41, %swap3A_42] : memref<100x64x144xf32, #tpu.memory_space<vmem>>, vector<100x64x144xf32>
    tpu.vector_store %arg7[%swap3A, %swap3A_41, %swap3A_42], %concatenate3A_40 {strides = array<i32>} : memref<100x64x144xf32, #tpu.memory_space<vmem>>, vector<100x64x144xf32>,
    %slice3A_44 = vector.extract_strided_slice %select_n3A_35 {offsets = [0, 128], sizes = [3200, 128], strides = [1, 1]} : vector<3200x384xf32> to vector<3200x128xf32>
    %swap3A_45 = arith.constant 0 : index
    %swap3A_46 = arith.constant 0 : index
    %swap3A_47 = vector.load %arg8[%swap3A_45, %swap3A_46] : memref<3200x128xf32, #tpu.memory_space<vmem>>, vector<3200x128xf32>
    tpu.vector_store %arg8[%swap3A_45, %swap3A_46], %slice3A_44 {strides = array<i32>} : memref<3200x128xf32, #tpu.memory_space<vmem>>, vector<3200x128xf32>,
    return
  }
  func.func @transform_0(%arg0: i32) -> (i32, i32) {
    %c0_i32 = arith.constant 0 : i32
    %c0_i32_0 = arith.constant 0 : i32
    return %arg0, %c0_i32 : i32, i32
  }
  func.func @transform_1(%arg0: i32) -> (i32, i32) {
    %c0_i32 = arith.constant 0 : i32
    %c0_i32_0 = arith.constant 0 : i32
    %c0_i32_1 = arith.constant 0 : i32
    return %c0_i32, %c0_i32_0 : i32, i32
  }
  func.func @transform_2(%arg0: i32) -> (i32, i32) {
    %c0_i32 = arith.constant 0 : i32
    %c0_i32_0 = arith.constant 0 : i32
    %c0_i32_1 = arith.constant 0 : i32
    return %c0_i32, %c0_i32_0 : i32, i32
  }
  func.func @transform_3(%arg0: i32) -> (i32, i32) {
    %c0_i32 = arith.constant 0 : i32
    %c0_i32_0 = arith.constant 0 : i32
    %c0_i32_1 = arith.constant 0 : i32
    return %c0_i32, %c0_i32_0 : i32, i32
  }
  func.func @transform_4(%arg0: i32) -> (i32, i32) {
    %c0_i32 = arith.constant 0 : i32
    %c0_i32_0 = arith.constant 0 : i32
    %c0_i32_1 = arith.constant 0 : i32
    return %c0_i32, %c0_i32_0 : i32, i32
  }
  func.func @transform_5(%arg0: i32) -> (i32, i32) {
    %c0_i32 = arith.constant 0 : i32
    %c0_i32_0 = arith.constant 0 : i32
    %c0_i32_1 = arith.constant 0 : i32
    return %c0_i32, %c0_i32_0 : i32, i32
  }
  func.func @transform_6(%arg0: i32) -> (i32, i32, i32) {
    %c0_i32 = arith.constant 0 : i32
    %c0_i32_0 = arith.constant 0 : i32
    %c0_i32_1 = arith.constant 0 : i32
    return %arg0, %c0_i32, %c0_i32_0 : i32, i32, i32
  }
  func.func @transform_7(%arg0: i32) -> (i32, i32) {
    %c0_i32 = arith.constant 0 : i32
    %c0_i32_0 = arith.constant 0 : i32
    return %arg0, %c0_i32 : i32, i32
  }
}

module attributes {stable_mosaic.version = 14 : i64} {
  func.func @_node_mlp_body(%arg0: memref<2x10240x144xf32, #tpu.memory_space<vmem>>, %arg1: memref<128x128xf32, #tpu.memory_space<vmem>>, %arg2: memref<1x128xf32, #tpu.memory_space<vmem>>, %arg3: memref<1x128xf32, #tpu.memory_space<vmem>>, %arg4: memref<1x128xf32, #tpu.memory_space<vmem>>, %arg5: memref<128x128xf32, #tpu.memory_space<vmem>>, %arg6: memref<1x128xf32, #tpu.memory_space<vmem>>, %arg7: memref<1x128xf32, #tpu.memory_space<vmem>>, %arg8: memref<1x128xf32, #tpu.memory_space<vmem>>, %arg9: memref<10000x128xf32, #tpu.memory_space<vmem>>) attributes {dimension_semantics = [], scalar_prefetch = 0 : i64, scratch_operands = 0 : i64, tpu.core_type = #tpu.core_type<tc>} {
    %get3A = arith.constant 0 : index
    %get3A_0 = arith.constant 0 : index
    %get3A_1 = arith.constant 0 : index
    %get3A_2 = vector.load %arg0[%get3A, %get3A_0, %get3A_1] : memref<2x10240x144xf32, #tpu.memory_space<vmem>>, vector<1x10000x144xf32>
    %get3A_3 = vector.shape_cast %get3A_2 : vector<1x10000x144xf32> to vector<10000x144xf32>
    %get3A_4 = arith.constant 1 : index
    %get3A_5 = arith.constant 0 : index
    %get3A_6 = arith.constant 0 : index
    %get3A_7 = vector.load %arg0[%get3A_4, %get3A_5, %get3A_6] : memref<2x10240x144xf32, #tpu.memory_space<vmem>>, vector<1x10000x144xf32>
    %get3A_8 = vector.shape_cast %get3A_7 : vector<1x10000x144xf32> to vector<10000x144xf32>
    %add3A = arith.addf %get3A_3, %get3A_8 : vector<10000x144xf32>
    %slice3A = vector.extract_strided_slice %add3A {offsets = [0, 0], sizes = [10000, 128], strides = [1, 1]} : vector<10000x144xf32> to vector<10000x128xf32>
    %slice3A_9 = vector.extract_strided_slice %add3A {offsets = [0, 128], sizes = [10000, 1], strides = [1, 1]} : vector<10000x144xf32> to vector<10000x1xf32>
    %jit3A = arith.constant 1.000000e+00 : f32
    %jit3A_10 = arith.constant 1.000000e+04 : f32
    %max3A = vector.broadcast %jit3A : f32 to vector<10000x1xf32>
    %max3A_11 = arith.maximumf %max3A, %slice3A_9 : vector<10000x1xf32>
    %min3A = vector.broadcast %jit3A_10 : f32 to vector<10000x1xf32>
    %min3A_12 = arith.minimumf %min3A, %max3A_11 : vector<10000x1xf32>
    %div3A = vector.broadcast %min3A_12 : vector<10000x1xf32> to vector<10000x128xf32>
    %div3A_13 = arith.divf %slice3A, %div3A : vector<10000x128xf32>
    %get3A_14 = arith.constant 0 : index
    %get3A_15 = arith.constant 0 : index
    %get3A_16 = vector.load %arg1[%get3A_14, %get3A_15] : memref<128x128xf32, #tpu.memory_space<vmem>>, vector<128x128xf32>
    %dot_general3A = arith.constant dense<0.000000e+00> : vector<10000x128xf32>
    %dot_general3A_17 = tpu.matmul %div3A_13, %get3A_16, %dot_general3A {dimension_numbers = #tpu.dot_dimension_numbers<[1], [0], [0], [1], [0, 0, 1, 1], [], []>, transpose_lhs_hint = false} : vector<10000x128xf32>, vector<128x128xf32>, vector<10000x128xf32> -> vector<10000x128xf32>
    %get3A_18 = arith.constant 0 : index
    %get3A_19 = arith.constant 0 : index
    %get3A_20 = vector.load %arg2[%get3A_18, %get3A_19] : memref<1x128xf32, #tpu.memory_space<vmem>>, vector<1x128xf32>
    %add3A_21 = vector.broadcast %get3A_20 : vector<1x128xf32> to vector<10000x128xf32>
    %add3A_22 = arith.addf %dot_general3A_17, %add3A_21 : vector<10000x128xf32>
    %reduce_sum3A = arith.constant dense<0.000000e+00> : vector<128xf32>
    %reduce_sum3A_23 = vector.multi_reduction <add>, %add3A_22, %reduce_sum3A [0] : vector<10000x128xf32> to vector<128xf32>
    %broadcast_in_dim3A = vector.shape_cast %reduce_sum3A_23 : vector<128xf32> to vector<1x128xf32>
    %div3A_24 = arith.constant 1.000000e+04 : f32
    %div3A_25 = vector.broadcast %div3A_24 : f32 to vector<1x128xf32>
    %div3A_26 = arith.divf %broadcast_in_dim3A, %div3A_25 : vector<1x128xf32>
    %sub3A = vector.broadcast %div3A_26 : vector<1x128xf32> to vector<10000x128xf32>
    %sub3A_27 = arith.subf %add3A_22, %sub3A : vector<10000x128xf32>
    %sub3A_28 = vector.broadcast %div3A_26 : vector<1x128xf32> to vector<10000x128xf32>
    %sub3A_29 = arith.subf %add3A_22, %sub3A_28 : vector<10000x128xf32>
    %mul3A = arith.mulf %sub3A_27, %sub3A_29 : vector<10000x128xf32>
    %reduce_sum3A_30 = arith.constant dense<0.000000e+00> : vector<128xf32>
    %reduce_sum3A_31 = vector.multi_reduction <add>, %mul3A, %reduce_sum3A_30 [0] : vector<10000x128xf32> to vector<128xf32>
    %broadcast_in_dim3A_32 = vector.shape_cast %reduce_sum3A_31 : vector<128xf32> to vector<1x128xf32>
    %div3A_33 = arith.constant 1.000000e+04 : f32
    %div3A_34 = vector.broadcast %div3A_33 : f32 to vector<1x128xf32>
    %div3A_35 = arith.divf %broadcast_in_dim3A_32, %div3A_34 : vector<1x128xf32>
    %sub3A_36 = vector.broadcast %div3A_26 : vector<1x128xf32> to vector<10000x128xf32>
    %sub3A_37 = arith.subf %add3A_22, %sub3A_36 : vector<10000x128xf32>
    %add3A_38 = arith.constant 1.000000e-03 : f32
    %add3A_39 = vector.broadcast %add3A_38 : f32 to vector<1x128xf32>
    %add3A_40 = arith.addf %div3A_35, %add3A_39 : vector<1x128xf32>
    %rsqrt3A = math.rsqrt %add3A_40 : vector<1x128xf32>
    %mul3A_41 = vector.broadcast %rsqrt3A : vector<1x128xf32> to vector<10000x128xf32>
    %mul3A_42 = arith.mulf %sub3A_37, %mul3A_41 : vector<10000x128xf32>
    %get3A_43 = arith.constant 0 : index
    %get3A_44 = arith.constant 0 : index
    %get3A_45 = vector.load %arg3[%get3A_43, %get3A_44] : memref<1x128xf32, #tpu.memory_space<vmem>>, vector<1x128xf32>
    %mul3A_46 = vector.broadcast %get3A_45 : vector<1x128xf32> to vector<10000x128xf32>
    %mul3A_47 = arith.mulf %mul3A_42, %mul3A_46 : vector<10000x128xf32>
    %get3A_48 = arith.constant 0 : index
    %get3A_49 = arith.constant 0 : index
    %get3A_50 = vector.load %arg4[%get3A_48, %get3A_49] : memref<1x128xf32, #tpu.memory_space<vmem>>, vector<1x128xf32>
    %add3A_51 = vector.broadcast %get3A_50 : vector<1x128xf32> to vector<10000x128xf32>
    %add3A_52 = arith.addf %mul3A_47, %add3A_51 : vector<10000x128xf32>
    %ge3A = arith.constant 0.000000e+00 : f32
    %ge3A_53 = vector.broadcast %ge3A : f32 to vector<10000x128xf32>
    %ge3A_54 = arith.cmpf oge, %add3A_52, %ge3A_53 : vector<10000x128xf32>
    %mul3A_55 = arith.constant 2.000000e-01 : f32
    %mul3A_56 = vector.broadcast %mul3A_55 : f32 to vector<10000x128xf32>
    %mul3A_57 = arith.mulf %mul3A_56, %add3A_52 : vector<10000x128xf32>
    %select_n3A = arith.select %ge3A_54, %add3A_52, %mul3A_57 : vector<10000x128xi1>, vector<10000x128xf32>
    %get3A_58 = arith.constant 0 : index
    %get3A_59 = arith.constant 0 : index
    %get3A_60 = vector.load %arg5[%get3A_58, %get3A_59] : memref<128x128xf32, #tpu.memory_space<vmem>>, vector<128x128xf32>
    %dot_general3A_61 = arith.constant dense<0.000000e+00> : vector<10000x128xf32>
    %dot_general3A_62 = tpu.matmul %select_n3A, %get3A_60, %dot_general3A_61 {dimension_numbers = #tpu.dot_dimension_numbers<[1], [0], [0], [1], [0, 0, 1, 1], [], []>, transpose_lhs_hint = false} : vector<10000x128xf32>, vector<128x128xf32>, vector<10000x128xf32> -> vector<10000x128xf32>
    %get3A_63 = arith.constant 0 : index
    %get3A_64 = arith.constant 0 : index
    %get3A_65 = vector.load %arg6[%get3A_63, %get3A_64] : memref<1x128xf32, #tpu.memory_space<vmem>>, vector<1x128xf32>
    %add3A_66 = vector.broadcast %get3A_65 : vector<1x128xf32> to vector<10000x128xf32>
    %add3A_67 = arith.addf %dot_general3A_62, %add3A_66 : vector<10000x128xf32>
    %reduce_sum3A_68 = arith.constant dense<0.000000e+00> : vector<128xf32>
    %reduce_sum3A_69 = vector.multi_reduction <add>, %add3A_67, %reduce_sum3A_68 [0] : vector<10000x128xf32> to vector<128xf32>
    %broadcast_in_dim3A_70 = vector.shape_cast %reduce_sum3A_69 : vector<128xf32> to vector<1x128xf32>
    %div3A_71 = arith.constant 1.000000e+04 : f32
    %div3A_72 = vector.broadcast %div3A_71 : f32 to vector<1x128xf32>
    %div3A_73 = arith.divf %broadcast_in_dim3A_70, %div3A_72 : vector<1x128xf32>
    %sub3A_74 = vector.broadcast %div3A_73 : vector<1x128xf32> to vector<10000x128xf32>
    %sub3A_75 = arith.subf %add3A_67, %sub3A_74 : vector<10000x128xf32>
    %sub3A_76 = vector.broadcast %div3A_73 : vector<1x128xf32> to vector<10000x128xf32>
    %sub3A_77 = arith.subf %add3A_67, %sub3A_76 : vector<10000x128xf32>
    %mul3A_78 = arith.mulf %sub3A_75, %sub3A_77 : vector<10000x128xf32>
    %reduce_sum3A_79 = arith.constant dense<0.000000e+00> : vector<128xf32>
    %reduce_sum3A_80 = vector.multi_reduction <add>, %mul3A_78, %reduce_sum3A_79 [0] : vector<10000x128xf32> to vector<128xf32>
    %broadcast_in_dim3A_81 = vector.shape_cast %reduce_sum3A_80 : vector<128xf32> to vector<1x128xf32>
    %div3A_82 = arith.constant 1.000000e+04 : f32
    %div3A_83 = vector.broadcast %div3A_82 : f32 to vector<1x128xf32>
    %div3A_84 = arith.divf %broadcast_in_dim3A_81, %div3A_83 : vector<1x128xf32>
    %sub3A_85 = vector.broadcast %div3A_73 : vector<1x128xf32> to vector<10000x128xf32>
    %sub3A_86 = arith.subf %add3A_67, %sub3A_85 : vector<10000x128xf32>
    %add3A_87 = arith.constant 1.000000e-03 : f32
    %add3A_88 = vector.broadcast %add3A_87 : f32 to vector<1x128xf32>
    %add3A_89 = arith.addf %div3A_84, %add3A_88 : vector<1x128xf32>
    %rsqrt3A_90 = math.rsqrt %add3A_89 : vector<1x128xf32>
    %mul3A_91 = vector.broadcast %rsqrt3A_90 : vector<1x128xf32> to vector<10000x128xf32>
    %mul3A_92 = arith.mulf %sub3A_86, %mul3A_91 : vector<10000x128xf32>
    %get3A_93 = arith.constant 0 : index
    %get3A_94 = arith.constant 0 : index
    %get3A_95 = vector.load %arg7[%get3A_93, %get3A_94] : memref<1x128xf32, #tpu.memory_space<vmem>>, vector<1x128xf32>
    %mul3A_96 = vector.broadcast %get3A_95 : vector<1x128xf32> to vector<10000x128xf32>
    %mul3A_97 = arith.mulf %mul3A_92, %mul3A_96 : vector<10000x128xf32>
    %get3A_98 = arith.constant 0 : index
    %get3A_99 = arith.constant 0 : index
    %get3A_100 = vector.load %arg8[%get3A_98, %get3A_99] : memref<1x128xf32, #tpu.memory_space<vmem>>, vector<1x128xf32>
    %add3A_101 = vector.broadcast %get3A_100 : vector<1x128xf32> to vector<10000x128xf32>
    %add3A_102 = arith.addf %mul3A_97, %add3A_101 : vector<10000x128xf32>
    %ge3A_103 = arith.constant 0.000000e+00 : f32
    %ge3A_104 = vector.broadcast %ge3A_103 : f32 to vector<10000x128xf32>
    %ge3A_105 = arith.cmpf oge, %add3A_102, %ge3A_104 : vector<10000x128xf32>
    %mul3A_106 = arith.constant 2.000000e-01 : f32
    %mul3A_107 = vector.broadcast %mul3A_106 : f32 to vector<10000x128xf32>
    %mul3A_108 = arith.mulf %mul3A_107, %add3A_102 : vector<10000x128xf32>
    %select_n3A_109 = arith.select %ge3A_105, %add3A_102, %mul3A_108 : vector<10000x128xi1>, vector<10000x128xf32>
    %swap3A = arith.constant 0 : index
    %swap3A_110 = arith.constant 0 : index
    %swap3A_111 = vector.load %arg9[%swap3A, %swap3A_110] : memref<10000x128xf32, #tpu.memory_space<vmem>>, vector<10000x128xf32>
    tpu.vector_store %arg9[%swap3A, %swap3A_110], %select_n3A_109 {strides = array<i32>} : memref<10000x128xf32, #tpu.memory_space<vmem>>, vector<10000x128xf32>,
    return
  }
}

</mosaic_0001>

<sc_bundles>
// kernel: kernel.11.cloned.1.call-start
scs
__scs_entry_jumppad:
0x0: {  	(pc) =	sbr.rel $0x88, $3  }
0x1: {  	(tag) =	ssettag $0x0;
	lr =	simm.s32 $0x1  }
0x2: {  	[smem:$0x3F8E] =	sst lr;
	_ =	strace $0xD0000000  }
0x3: {  	_ = 	snop  }
0x4: {  	_ = 	snop  }
0x5: {  	_ = 	snop  }
0x6: {  	_ = 	snop  }
0x7: {  	_ = 	snop  }
__scs_overlays_trampoline_lowered:
0x8: {  	[smem:$0x3F9D] =	sst s0  }
0x9: {  	[smem:$0x3F9E] =	sst s1  }
0xa: {  	[smem:$0x3F9F] =	sst s2  }
0xb: {  	[smem:$0x3FA0] =	sst s3  }
0xc: {  	[smem:$0x3FA1] =	sst s4  }
0xd: {  	[smem:$0x3FA2] =	sst s5  }
0xe: {  	[smem:$0x3FA3] =	sst s6  }
0xf: {  	[smem:$0x3FA4] =	sst s7  }
0x10: {  	[smem:$0x3FA5] =	sst s8  }
0x11: {  	[smem:$0x3FA6] =	sst s9;
	s0 =	simm.s32 @!p0 $0x0  }
0x12: {  	s1 =	sld [smem:$0x3F8C];
	s0 =	simm.s32 @p0 $0x1  }
0x13: {  	[smem:$0x3FA7] =	sst s0;
	s0 =	simm.s32 @!p1 $0x0  }
0x14: {  	s2 =	sld [smem:$0x3F8B];
	s0 =	simm.s32 @p1 $0x1  }
0x15: {  	[smem:$0x3FA8] =	sst s0;
	s0 =	simm.s32 @!p2 $0x0  }
0x16: {  	s3 =	sld [smem:$0x3FDB];
	s0 =	simm.s32 @p2 $0x1  }
0x17: {  	s4 =	simm.s32 $0x1BF5;
	[smem:$0x3FAA] =	sst s0  }
0x18: {  	s0 =	sld [smem:$0x3F8D];
	_ =	swait.ge [sflag:s4], $0x0  }
0x19: {  	s7 =	sld [smem:$0x3F8E]  }
0x1a: {  	s8 =	sadd.s32 $0xFFFFE003, lr  }
0x1b: {  	s9 =	sadd.s32 $0xFFFFFEF7, lr;
	s5 =	simm.s32 $0xFFFFFFFF;
	p2 =	slt.u32 s8, $0xFFFFF086  }
0x1c: {  	p1 =	slt.u32 s9, $0xF7A;
	s5 =	simm.s32 @!p2 $0x0  }
0x1d: {  	s5 =	simm.s32 @p1 $0x1;
	p0 =	seq.s32 s7, s2  }
0x1e: {  	s7 =	smul.u32 @!p0 $0xF7A, s2;
	p2 =	seq.s32 @!p0 s5, $0x0  }
0x1f: {  	s9 =	smul.u32 $0xF7A, s1;
	s8 =	simm.s32 @!p0 $0x1BF5;
	p2 =	por !p2, p0  }
0x20: {  	[sflag:s8] =	ssyncset.s32 @!p0 $0xFFFFF086;
	s6 =	sadd.s32 @!p0 s3, s7;
	s7 =	simm.s32 @!p0 $0x108  }
0x21: {  	s3 =	sadd.s32 s3, s9;
	s6 =	sadd.s32 @!p0 $0x88, s6;
	s7 =	simm.s32 @p2 $0x1082  }
0x22: {  	[simem:s7], [sflag:s8] =	dma.local @!p0 [hbm:s6], $0xF7A  }
0x23: {  	s9 =	sor.u32 $0xD0000000, s2;
	s6 =	simm.s32 $0x108;
	_ =	swait.ge @!p0 [sflag:s8], $0x0  }
0x24: {  	s3 =	sadd.s32 $0x88, s3;
	s6 =	simm.s32 @!p1 $0x1082;
	[sflag:s4] =	ssyncset.s32 $0xFFFFF086  }
0x25: {  	[simem:s6], [sflag:s4] =	dma.local [hbm:s3], $0xF7A  }
0x26: {  	[smem:$0x3F8E] =	sst s1;
	(tag) =	ssettag s2;
	_ =	strace s9  }
0x27: {  	s1 =	sld [smem:$0x3F9E]  }
0x28: {  	s2 =	sld [smem:$0x3F9F]  }
0x29: {  	s4 =	sld [smem:$0x3FA1]  }
0x2a: {  	p0 =	seq.s32 s5, $0x0;
	s5 =	sld [smem:$0x3FA2]  }
0x2b: {  	s6 =	sld [smem:$0x3FA3]  }
0x2c: {  	s7 =	sld [smem:$0x3FA4]  }
0x2d: {  	s3 =	simm.s32 $0x108;
	s8 =	sld [smem:$0x3FA5]  }
0x2e: {  	s3 =	simm.s32 @!p0 $0x1082;
	s9 =	sld [smem:$0x3FA6]  }
0x2f: {  	lr =	sadd.s32 s0, s3;
	s0 =	sld [smem:$0x3F9D]  }
0x30: {  	s3 =	sld [smem:$0x3FA0]  }
0x31: {  	[smem:$0x3FA9] =	sst s10  }
0x32: {  	s10 =	sld [smem:$0x3FA7];
	_ =	sdelay $0x3  }
0x33: {  	p0 =	seq.s32 s10, $0x1;
	s10 =	sld [smem:$0x3FA9];
	_ =	sdelay $0x3  }
0x34: {  	[smem:$0x3FA9] =	sst s10  }
0x35: {  	s10 =	sld [smem:$0x3FA8];
	_ =	sdelay $0x3  }
0x36: {  	p1 =	seq.s32 s10, $0x1;
	s10 =	sld [smem:$0x3FA9];
	_ =	sdelay $0x3  }
0x37: {  	[smem:$0x3FA9] =	sst s10  }
0x38: {  	s10 =	sld [smem:$0x3FAA]  }
0x39: {  	_ = 	snop;
	(pc) =	sbr.ind lr, $3  }
0x3a: {  	_ = 	snop  }
0x3b: {  	_ = 	snop  }
0x3c: {  	p2 =	seq.s32 s10, $0x1;
	s10 =	sld [smem:$0x3FA9]  }
0x3d: {  	_ =	shalt  }
0x3e: {  	_ =	shalt  }
0x3f: {  	_ =	shalt  }
0x40: {  	_ =	shalt  }
0x41: {  	_ =	shalt  }
0x42: {  	_ =	shalt  }
0x43: {  	_ =	shalt  }
0x44: {  	_ =	shalt  }
0x45: {  	_ =	shalt  }
0x46: {  	_ =	shalt  }
0x47: {  	_ =	shalt  }
0x48: {  	_ =	shalt  }
0x49: {  	_ =	shalt  }
0x4a: {  	_ =	shalt  }
0x4b: {  	_ =	shalt  }
0x4c: {  	_ =	shalt  }
0x4d: {  	_ =	shalt  }
0x4e: {  	_ =	shalt  }
0x4f: {  	_ =	shalt  }
0x50: {  	_ =	shalt  }
0x51: {  	_ =	shalt  }
0x52: {  	_ =	shalt  }
0x53: {  	_ =	shalt  }
0x54: {  	_ =	shalt  }
0x55: {  	_ =	shalt  }
0x56: {  	_ =	shalt  }
0x57: {  	_ =	shalt  }
0x58: {  	_ =	shalt  }
0x59: {  	_ =	shalt  }
0x5a: {  	_ =	shalt  }
0x5b: {  	_ =	shalt  }
0x5c: {  	_ =	shalt  }
0x5d: {  	_ =	shalt  }
0x5e: {  	_ =	shalt  }
0x5f: {  	_ =	shalt  }
0x60: {  	_ =	shalt  }
0x61: {  	_ =	shalt  }
0x62: {  	_ =	shalt  }
0x63: {  	_ =	shalt  }
0x64: {  	_ =	shalt  }
0x65: {  	_ =	shalt  }
0x66: {  	_ =	shalt  }
0x67: {  	_ =	shalt  }
0x68: {  	_ =	shalt  }
0x69: {  	_ =	shalt  }
0x6a: {  	_ =	shalt  }
0x6b: {  	_ =	shalt  }
0x6c: {  	_ =	shalt  }
0x6d: {  	_ =	shalt  }
0x6e: {  	_ =	shalt  }
0x6f: {  	_ =	shalt  }
0x70: {  	_ =	shalt  }
0x71: {  	_ =	shalt  }
0x72: {  	_ =	shalt  }
0x73: {  	_ =	shalt  }
0x74: {  	_ =	shalt  }
0x75: {  	_ =	shalt  }
0x76: {  	_ =	shalt  }
0x77: {  	_ =	shalt  }
0x78: {  	_ =	shalt  }
0x79: {  	_ =	shalt  }
0x7a: {  	_ =	shalt  }
0x7b: {  	_ =	shalt  }
0x7c: {  	_ =	shalt  }
0x7d: {  	_ =	shalt  }
0x7e: {  	_ =	shalt  }
0x7f: {  	_ =	shalt  }
0x80: {  	_ =	shalt  }
0x81: {  	_ =	shalt  }
0x82: {  	_ =	shalt  }
0x83: {  	_ =	shalt  }
0x84: {  	_ =	shalt  }
0x85: {  	_ =	shalt  }
0x86: {  	_ =	shalt  }
0x87: {  	_ =	shalt  }
.Lfunc_end0:
.L_simem_size_0:
called_computation_lowered:
.L_overlay_start_0:
0x88: {  	s2 =	sld [smem:$0x3FD9]  }
0x89: {  	s3 =	sld [smem:$0x3FFE];
	_ =	sdelay $0x1  }
0x8a: {  	s1 =	srdreg.scid  }
0x8b: {  	s0 =	sand.u32 $0x1, s1  }
0x8c: {  	s14 =	sshll.u32 s0, $0xA;
	s2 =	sadd.s32 s3, s2  }
0x8d: {  	s2 =	sadd.s32 s2, s14  }
0x8e: {  	[smem:$0x3FB5] =	sst s2  }
0x8f: {  	_ = 	snop  }
0x90: {  	s2 =	sld [smem:$0x3FD0];
	_ =	sdelay $0x2  }
0x91: {  	s15 =	simm.s32 $0xA;
	s4 =	simm.s32 $0x10  }
0x92: {  	[smem:s4], [sflag:s15] =	dma.local [hbm:s2], $0x1  }
0x93: {  	_ =	swait.eq [sflag:s15], $0x1  }
0x94: {  	[sflag:s15] =	ssyncset.done $0x0  }
0x95: {  	s16 =	sld [smem:$0x10];
	[sflag:s15] =	ssyncadd.s32 $0xFFFFFFFF  }
0x96: {  	s17 =	sld [smem:$0x11];
	(tm) =	ssettm $0x1  }
0x97: {  	s18 =	sld [smem:$0x3FFB];
	_ =	sdelay $0x3  }
0x98: {  	_ =	strace s18  }
0x99: {  	s4 =	sld [smem:$0x3FFC];
	_ =	sdelay $0x3  }
0x9a: {  	_ =	strace s4  }
0x9b: {  	s4 =	sld [smem:$0x3FFD];
	_ =	sdelay $0x3  }
0x9c: {  	_ =	strace s4  }
0x9d: {  	_ =	strace $0x8FFFFFFF  }
0x9e: {  	s19 =	sld [smem:$0x3FDB];
	_ =	sdelay $0x1  }
0x9f: {  	s5 =	simm.s32 $_scs_section_size  }
0xa0: {  	s6 =	simm.s32 $_size__tile_overlayer_lowered;
	s7 =	simm.s32 $_tile_overlayer_lowered  }
0xa1: {  	s22 =	simm.s32 $0x1BFF;
	s21 =	sshll.u32 s7, $0x1;
	s4 =	sadd.s32 s5, s19  }
0xa2: {  	s8 =	simm.s32 $0x0;
	s20 =	sshll.u32 s6, $0x1;
	s6 =	sadd.s32 s21, s4  }
0xa3: {  	[timem:s8], [sflag:s22] =	dma.local [hbm:s6], s20  }
0xa4: {  	_ =	swait.ge [sflag:s22], s20  }
0xa5: {  	s5 =	ssub.s32 $0x0, s20;
	[sflag:s22] =	ssyncset.done $0x0  }
0xa6: {  	[sflag:s22] =	ssyncadd.s32 s5;
	_ =	sdelay $0x1  }
0xa7: {  	s23 =	simm.s32 $0x1B8B  }
0xa8: {  	_ =	swait.ge [sflag:s23], $0x1  }
0xa9: {  	[sflag:s23] =	ssyncset.done $0x0  }
0xaa: {  	s25 =	simm.s32 $0x1B8E;
	s24 =	sld [smem:$0x3FFE];
	[sflag:s23] =	ssyncadd.s32 $0xFFFFFFFF  }
0xab: {  	s26 =	simm.s32 $execute0_lowered;
	[smem:$0x3FD2] =	sst s25  }
0xac: {  	s6 =	sshll.u32 s26, $0x1;
	_ =	strace $0x80000046;
	[dreg:$0x1] =	wrdreg $0xFFFFFFFF  }
0xad: {  	s28 =	simm.s32 $_size_execute0_lowered;
	s4 =	sadd.s32 s4, s6;
	[dreg:$0x0] =	wrdreg $0x0  }
0xae: {  	s6 =	sshll.u32 s28, $0x1;
	[dreg:$0x2] =	wrdreg s4  }
0xaf: {  	[dreg:$0x3] =	wrdreg s6  }
0xb0: {  	[dreg:$0x4] =	wrdreg $0xC0  }
0xb1: {  	_ =	task [dreg:s8], $0x5FFFF  }
0xb2: {  	[dreg:$0x1] =	wrdreg $0xFFFFFFFF  }
0xb3: {  	[dreg:$0x0] =	wrdreg $0x60  }
0xb4: {  	[dreg:$0x2] =	wrdreg s16  }
0xb5: {  	[dreg:$0x3] =	wrdreg s24  }
0xb6: {  	[dreg:$0x4] =	wrdreg s17  }
0xb7: {  	[dreg:$0x5] =	wrdreg $0x9  }
0xb8: {  	_ =	task.clear_ibuf [dreg:s8], $0x6FFFF;
	_ =	strace $0x90000046  }
0xb9: {  	s29 =	simm.s32 $0x9;
	_ =	strace $0x80000048  }
0xba: {  	_ =	swait.ge [sflag:s29], $0x1  }
0xbb: {  	[sflag:s29] =	ssyncadd.s32 $0xFFFFFFFF  }
0xbc: {  	_ =	strace $0x90000048  }
0xbd: {  	_ =	sfence  }
0xbe: {  	s30 =	sld [smem:$0x0];
	_ =	sdelay $0x2  }
0xbf: {  	s31 =	sshll.u32 s1, $0xD;
	s1 =	sshrl.u32 s1, $0x2  }
0xc0: {  	s3 =	sand.u32 $0x4000, s31;
	s1 =	sadd.s32 s1, s30  }
0xc1: {  	s0 =	sor.u32 s3, s0;
	s1 =	sshll.u32 s1, $0x11  }
0xc2: {  	s0 =	sor.u32 s1, s0  }
0xc3: {  	s0 =	sadd.s32 $0x8F2B, s0  }
0xc4: {  	[sflag:s0] =	ssyncadd.remote.s32 $0x1  }
0xc5: {  	_ =	sfence.sel $0xFFFF  }
0xc6: {  	[dreg:$0x0] =	wrdreg $0xFFFFFFFF;
	(pc) =	sbr.abs _section_cstart, $3  }
0xc7: {  	[dreg:$0x1] =	wrdreg $0xFFFFFFFF  }
0xc8: {  	_ =	task.clear_ibuf [dreg:s8], $0x2FFFF;
	_ =	strace $0x9FFFFFFF  }
0xc9: {  	(tm) =	ssettm $0x7FFFFFFF  }
tec
execute0_lowered:
.L_overlay_start_1:
0x0: {  	(tag) =	ssettag $0x1  }
0x1: {  	s1 =	rddreg [dreg:$0x0]  }
0x2: {  	s10 =	rddreg [dreg:$0x1]  }
0x3: {  	s2 =	rddreg [dreg:$0x2]  }
0x4: {  	s0 =	rddreg [dreg:$0x3];
	s3 =	simm.s32 $0x0;
	s4 =	srdreg.scid  }
0x5: {  	s15 =	simm.s32 $0x40;
	s16 =	simm.s32 $0x100;
	s17 =	simm.s32 $0x2100  }
0x6: {  	s18 =	simm.s32 $0x4100;
	s19 =	simm.s32 $0x1;
	s20 =	simm.s32 $0x6100  }
0x7: {  	s21 =	simm.s32 $0x0;
	[smem:$0x7FF] =	sst s3;
	s9 =	sand.u32 $0x1, s4  }
0x8: {  	s5 =	sadd.s32 $0xDA00, s10;
	s4 =	stileid.u32;
	s6 =	sadd.s32 $0x8A00, s10  }
0x9: {  	s7 =	sadd.s32 $0x3A00, s10;
	_ =	strace $0x80000047;
	s8 =	sshll.u32 s9, $0x4  }
0xa: {  	s13 =	ssub.s32 $0x2, s9;
	s9 =	simm.s32 $0x4F;
	s11 =	sor.u32 s4, s8  }
0xb: {  	s8 =	sadd.s32 $0x35C00, s10;
	s14 =	sshrl.u32 s13, $0x1;
	s12 =	sshll.u32 s11, $0x7  }
0xc: {  	p0 =	slt.u32 s11, $0x4;
	s13 =	ssub.s32 s13, s14;
	s14 =	simm.s32 $0x80  }
0xd: {  	s12 =	sadd.s32 s12, s10;
	s9 =	simm.s32 @!p0 $0x4E;
	s10 =	sshll.u32 s11, $0x6  }
0xe: {  	s11 =	sadd.s32 $0x34C00, s12;
	s12 =	smax.u32 s13, $0x1;
	s13 =	simm.s32 $0x2  }
.LBB2_1:
0xf: {  	v0 =	vimm.f32 $0.0e+00  }
0x10: {  	v1 =	vimm.f32 $0.0e+00;
	v2 =	vimm.f32 $0.0e+00;
	v3 =	vimm.f32 $0.0e+00  }
0x11: {  	v5 =	vimm.f32 $0.0e+00;
	v7 =	vimm.f32 $0.0e+00;
	v9 =	vimm.f32 $0.0e+00  }
0x12: {  	v11 =	vimm.f32 $0.0e+00;
	v4 =	vimm.f32 $0.0e+00;
	v6 =	vimm.f32 $0.0e+00  }
0x13: {  	v8 =	vimm.f32 $0.0e+00;
	v10 =	vimm.f32 $0.0e+00;
	v12 =	vimm.f32 $0.0e+00  }
0x14: {  	v13 =	vimm.f32 $0.0e+00;
	v14 =	vimm.f32 $0.0e+00;
	v15 =	vimm.f32 $0.0e+00;
	s22 =	simm.s32 $0x0  }
.LBB2_2:
0x15: {  	s23 =	sshll.u32 s22, $0xB  }
0x16: {  	s23 =	sor.u32 s10, s23  }
0x17: {  	s24 =	sshrl.u32 s23, $0x3  }
0x18: {  	s26 =	simm.s32 $0x0;
	s25 =	sadd.s32 s6, s24  }
0x19: {  	[tilespmem:s26], [sflag:$0x2] =	stream.linear.gather [hbm4b:s25+s26], $0x40, $0x38;
	[tilespmem:$0x6500] =	vst v63  }
0x1a: {  	_ =	swait.ge [sflag:s13], $0x40  }
0x1b: {  	[sflag:s13] =	ssyncset.done $0x0  }
0x1c: {  	s24 =	sadd.s32 s7, s24;
	[sflag:s13] =	ssyncadd.s32 $0xFFFFFFC0  }
0x1d: {  	[tilespmem:s14], [sflag:$0x2] =	stream.linear.gather [hbm4b:s24+s26], $0x40, $0x38;
	[tilespmem:$0x6500] =	vst v63  }
0x1e: {  	_ =	swait.ge [sflag:s13], $0x40  }
0x1f: {  	[sflag:s13] =	ssyncset.done $0x0  }
0x20: {  	[sflag:s13] =	ssyncadd.s32 $0xFFFFFFC0  }
0x21: {  	[tilespmem:s16], [sflag:$0x1] =	stream.indirect.gather [hbm4b:s1+s15], $0x80, s26, s15, $0xb8;
	[tilespmem:$0x6500] =	vst v63  }
0x22: {  	s23 =	sshll.u32 s23, $0x4  }
0x23: {  	[tilespmem:s17], [sflag:$0x1] =	stream.indirect.gather [hbm4b:s5+s15], $0x80, s14, s15, $0xb8;
	[tilespmem:$0x6500] =	vst v63  }
0x24: {  	s31 =	sadd.s32 s2, s23  }
0x25: {  	[tilespmem:s18], [sflag:$0x2] =	stream.linear.gather [hbm4b:s31+s26], $0x2000, $0x38;
	[tilespmem:$0x6500] =	vst v63  }
0x26: {  	_ =	swait.ge [sflag:s13], $0x2000  }
0x27: {  	[sflag:s13] =	ssyncset.done $0x0  }
0x28: {  	[sflag:s13] =	ssyncadd.s32 $0xFFFFE000  }
0x29: {  	_ =	swait.ge [sflag:s19], $0x2000  }
0x2a: {  	[sflag:s19] =	ssyncset.done $0x0  }
0x2b: {  	[sflag:s19] =	ssyncadd.s32 $0xFFFFE000  }
0x2c: {  	_ =	swait.ge [sflag:s19], $0x2000  }
0x2d: {  	[sflag:s19] =	ssyncset.done $0x0  }
0x2e: {  	s24 =	simm.s32 $0x0;
	[sflag:s19] =	ssyncadd.s32 $0xFFFFE000  }
0x2f: {  	v16 =	vld [tilespmem:s24+$0x100]  }
0x30: {  	v17 =	vld [tilespmem:s24+$0x2100]  }
0x31: {  	v18 =	vld [tilespmem:s24+$0x110]  }
0x32: {  	v19 =	vld [tilespmem:s24+$0x2110]  }
0x33: {  	v20 =	vld [tilespmem:s24+$0x120]  }
0x34: {  	v22 =	vld [tilespmem:s24+$0x2120]  }
0x35: {  	v23 =	vld [tilespmem:s24+$0x130]  }
0x36: {  	v31 =	vld [tilespmem:s24+$0x2130]  }
0x37: {  	v27 =	vld [tilespmem:s24+$0x140]  }
0x38: {  	v30 =	vld [tilespmem:s24+$0x2140]  }
0x39: {  	v25 =	vld [tilespmem:s24+$0x150]  }
0x3a: {  	v29 =	vld [tilespmem:s24+$0x2150]  }
0x3b: {  	v26 =	vld [tilespmem:s24+$0x160]  }
0x3c: {  	v28 =	vld [tilespmem:s24+$0x2160]  }
0x3d: {  	v21 =	vld [tilespmem:s24+$0x170]  }
0x3e: {  	v24 =	vld [tilespmem:s24+$0x2170]  }
0x3f: {  	v34 =	vld [tilespmem:s24+$0x4100]  }
0x40: {  	v33 =	vld [tilespmem:s24+$0x4110]  }
0x41: {  	s25 =	simm.s32 $0x200;
	v32 =	vld [tilespmem:s24+$0x4120]  }
.LBB2_3:
0x42: {  	p0 =	sne.s32 s25, $0x7E00;
	v16 =	vadd.f32 v17, v16;
	v17 =	vld [tilespmem:s24+$0x4130]  }
0x43: {  	v18 =	vadd.f32 v19, v18;
	v19 =	vld [tilespmem:s24+$0x4140]  }
0x44: {  	v34 =	vadd.f32 v34, v16;
	v16 =	vadd.f32 v22, v20;
	v20 =	vld [tilespmem:s24+$0x4150]  }
0x45: {  	v33 =	vadd.f32 v33, v18;
	v18 =	vadd.f32 v31, v23;
	v22 =	vld [tilespmem:s24+$0x4160]  }
0x46: {  	s26 =	sshra.s32 s25, $0x2;
	v27 =	vadd.f32 v30, v27;
	[tilespmem:s24+$0x4100] =	vst v34;
	v23 =	vmul.f32 v34, v34;
	v32 =	vadd.f32 v32, v16;
	v30 =	vld [tilespmem:s24+$0x4170]  }
0x47: {  	v25 =	vadd.f32 v29, v25;
	v16 =	vld [tilespmem:s26+$0x100];
	[tilespmem:s24+$0x4110] =	vst v33;
	v31 =	vmul.f32 v33, v33;
	v35 =	vadd.f32 v17, v18  }
0x48: {  	v26 =	vadd.f32 v28, v26;
	v17 =	vld [tilespmem:s26+$0x2100];
	[tilespmem:s24+$0x4120] =	vst v32;
	v29 =	vmul.f32 v32, v32;
	v36 =	vadd.f32 v19, v27  }
0x49: {  	v21 =	vadd.f32 v24, v21;
	v18 =	vld [tilespmem:s26+$0x110];
	[tilespmem:s24+$0x4130] =	vst v35;
	v27 =	vmul.f32 v35, v35;
	v28 =	vadd.f32 v20, v25  }
0x4a: {  	v11 =	vadd.f32 v23, v11;
	v19 =	vld [tilespmem:s26+$0x2110];
	[tilespmem:s24+$0x4140] =	vst v36;
	v24 =	vmul.f32 v36, v36;
	v26 =	vadd.f32 v22, v26  }
0x4b: {  	v9 =	vadd.f32 v31, v9;
	v20 =	vld [tilespmem:s26+$0x120];
	[tilespmem:s24+$0x4150] =	vst v28;
	v25 =	vmul.f32 v28, v28;
	v21 =	vadd.f32 v30, v21  }
0x4c: {  	v7 =	vadd.f32 v29, v7;
	v5 =	vadd.f32 v27, v5;
	v22 =	vld [tilespmem:s26+$0x2120];
	[tilespmem:s24+$0x4160] =	vst v26;
	v27 =	vmul.f32 v26, v26  }
0x4d: {  	v3 =	vadd.f32 v24, v3;
	v23 =	vld [tilespmem:s26+$0x130];
	v2 =	vadd.f32 v25, v2;
	[tilespmem:s24+$0x4170] =	vst v21;
	v24 =	vmul.f32 v21, v21;
	s24 =	smov.u32 s26  }
0x4e: {  	v15 =	vadd.f32 v34, v15;
	v31 =	vld [tilespmem:s24+$0x2130];
	v1 =	vadd.f32 v27, v1  }
0x4f: {  	v14 =	vadd.f32 v33, v14;
	v27 =	vld [tilespmem:s24+$0x140];
	v0 =	vadd.f32 v24, v0  }
0x50: {  	v13 =	vadd.f32 v32, v13;
	v12 =	vadd.f32 v35, v12;
	v30 =	vld [tilespmem:s24+$0x2140]  }
0x51: {  	v10 =	vadd.f32 v36, v10;
	v8 =	vadd.f32 v28, v8;
	v25 =	vld [tilespmem:s24+$0x150]  }
0x52: {  	v6 =	vadd.f32 v26, v6;
	v4 =	vadd.f32 v21, v4;
	v29 =	vld [tilespmem:s24+$0x2150]  }
0x53: {  	v26 =	vld [tilespmem:s24+$0x160]  }
0x54: {  	v28 =	vld [tilespmem:s24+$0x2160]  }
.Ltmp0:
0x55: {  	v21 =	vld [tilespmem:s24+$0x170];
	(pc) =	sbr.rel @p0 .LBB2_3-.Ltmp0, $4  }
0x56: {  	v24 =	vld [tilespmem:s24+$0x2170]  }
0x57: {  	v34 =	vld [tilespmem:s24+$0x4100]  }
0x58: {  	v33 =	vld [tilespmem:s24+$0x4110]  }
0x59: {  	s25 =	sadd.s32 $0x200, s25;
	v32 =	vld [tilespmem:s24+$0x4120]  }
0x5a: {  	v16 =	vadd.f32 v17, v16;
	v17 =	vld [tilespmem:s24+$0x4130]  }
0x5b: {  	v35 =	vld [tilespmem:s24+$0x4140];
	v18 =	vadd.f32 v19, v18  }
0x5c: {  	v52 =	vld [tilespmem:s24+$0x4150];
	v20 =	vadd.f32 v22, v20;
	v23 =	vadd.f32 v31, v23  }
0x5d: {  	v53 =	vld [tilespmem:s24+$0x4160];
	v27 =	vadd.f32 v30, v27;
	v16 =	vadd.f32 v34, v16  }
0x5e: {  	v55 =	vld [tilespmem:s24+$0x4170];
	v57 =	vadd.f32 v29, v25;
	v18 =	vadd.f32 v33, v18  }
0x5f: {  	v26 =	vadd.f32 v28, v26;
	[tilespmem:s24+$0x4100] =	vst v16;
	v20 =	vadd.f32 v32, v20  }
0x60: {  	v21 =	vadd.f32 v24, v21;
	v17 =	vadd.f32 v17, v23;
	[tilespmem:s24+$0x4110] =	vst v18  }
0x61: {  	v54 =	vmul.f32 v16, v16;
	v15 =	vadd.f32 v16, v15;
	v27 =	vadd.f32 v35, v27;
	[tilespmem:s24+$0x4120] =	vst v20  }
0x62: {  	v56 =	vmul.f32 v18, v18;
	v19 =	vadd.f32 v52, v57;
	v22 =	vadd.f32 v53, v26;
	[tilespmem:s24+$0x4130] =	vst v17  }
0x63: {  	v21 =	vadd.f32 v55, v21;
	v14 =	vadd.f32 v18, v14;
	v58 =	vmul.f32 v20, v20;
	[tilespmem:s24+$0x4140] =	vst v27  }
0x64: {  	s22 =	sadd.s32 $0x1, s22;
	v11 =	vadd.f32 v54, v11;
	v13 =	vadd.f32 v20, v13;
	v59 =	vmul.f32 v17, v17;
	[tilespmem:s24+$0x4150] =	vst v19  }
0x65: {  	p0 =	sne.s32 s22, s9;
	v60 =	vmul.f32 v27, v27;
	v9 =	vadd.f32 v56, v9;
	[tilespmem:s24+$0x4160] =	vst v22;
	v12 =	vadd.f32 v17, v12  }
.Ltmp1:
0x66: {  	s23 =	sadd.s32 s8, s23;
	v61 =	vmul.f32 v19, v19;
	[tilespmem:s24+$0x4170] =	vst v21;
	v10 =	vadd.f32 v27, v10;
	v8 =	vadd.f32 v19, v8;
	(pc) =	sbr.rel @p0 .LBB2_2-.Ltmp1, $4  }
0x67: {  	v62 =	vmul.f32 v22, v22;
	v6 =	vadd.f32 v22, v6;
	v4 =	vadd.f32 v21, v4;
	[hbm4b:s23+s3] =	stream.linear.scatter [tilespmem:s18], [sflag:$0x2], $0x2000, $0x38;
	[tilespmem:$0x6500] =	vst v63  }
0x68: {  	v63 =	vmul.f32 v21, v21;
	v7 =	vadd.f32 v58, v7;
	v5 =	vadd.f32 v59, v5;
	_ =	swait.ge [sflag:s13], $0x2000  }
0x69: {  	v3 =	vadd.f32 v60, v3;
	v2 =	vadd.f32 v61, v2;
	[sflag:s13] =	ssyncset.done $0x0  }
0x6a: {  	v1 =	vadd.f32 v62, v1;
	v0 =	vadd.f32 v63, v0;
	[sflag:s13] =	ssyncadd.s32 $0xFFFFE000  }
0x6b: {  	[tilespmem:$0x6100] =	vst v15  }
0x6c: {  	[tilespmem:$0x6180] =	vst v11  }
0x6d: {  	[tilespmem:$0x6110] =	vst v14  }
0x6e: {  	[tilespmem:$0x6190] =	vst v9  }
0x6f: {  	[tilespmem:$0x6120] =	vst v13  }
0x70: {  	[tilespmem:$0x61A0] =	vst v7  }
0x71: {  	[tilespmem:$0x6130] =	vst v12  }
0x72: {  	[tilespmem:$0x61B0] =	vst v5  }
0x73: {  	[tilespmem:$0x6140] =	vst v10  }
0x74: {  	[tilespmem:$0x61C0] =	vst v3  }
0x75: {  	[tilespmem:$0x6150] =	vst v8  }
0x76: {  	[tilespmem:$0x61D0] =	vst v2  }
0x77: {  	[tilespmem:$0x6160] =	vst v6  }
0x78: {  	[tilespmem:$0x6170] =	vst v4;
	s21 =	sadd.s32 $0x1, s21  }
0x79: {  	[tilespmem:$0x61E0] =	vst v1;
	p0 =	sne.s32 s21, s12  }
.Ltmp2:
0x7a: {  	[tilespmem:$0x61F0] =	vst v0;
	(pc) =	sbr.rel @p0 .LBB2_1-.Ltmp2, $4  }
0x7b: {  	[hbm4b:s11+s3] =	stream.linear.scatter [tilespmem:s20], [sflag:$0x2], $0x400, $0x38;
	[tilespmem:$0x6500] =	vst v63  }
0x7c: {  	_ =	swait.ge [sflag:s13], $0x400  }
0x7d: {  	[sflag:s13] =	ssyncset.done $0x0  }
0x7e: {  	[sflag:s13] =	ssyncadd.s32 $0xFFFFFC00  }
0x7f: {  	_ =	sfence.sel $0x180000  }
0x80: {  	[bflag:$0x0] =	sbarrier.arrive $0xFFFF  }
0x81: {  	p0 =	sne.s32 s4, $0x0;
	_ =	strace $0x90000047  }
0x82: {  	s0 =	sadd.s32 @!p0 $0x100000, s0;
	[bflag:$0x2] =	sbarrier.arrive $0xFFFF  }
0x83: {  	[sflag:s0] =	ssyncadd.tile.s32 @!p0 $0x1;
	_ =	shalt  }
.Lfunc_end2:
_tile_overlayer_lowered:
.L_overlay_start_2:
0x84: {  	(tag) =	ssettag $0x2  }
0x85: {  	s0 =	rddreg [dreg:$0x0];
	s2 =	stileid.u32  }
0x86: {  	s1 =	rddreg [dreg:$0x1];
	p0 =	sne.s32 s2, $0x0  }
0x87: {  	s3 =	rddreg [dreg:$0x2];
	[bflag:$0x3] =	sbarrier.arrive $0xFFFF;
	s2 =	simm.s32 @!p0 $0x1C02  }
0x88: {  	[timem:s3], [sflag:s2] =	dma.local @!p0 [hbm:s0], s1  }
0x89: {  	s0 =	simm.s32 @!p0 $0x2  }
0x8a: {  	_ =	swait.ge @!p0 [sflag:s0], s1  }
0x8b: {  	s1 =	ssub.s32 @!p0 $0x0, s1;
	[sflag:s0] =	ssyncset.done @!p0 $0x0  }
0x8c: {  	[sflag:s0] =	ssyncadd.s32 @!p0 s1  }
0x8d: {  	[bflag:$0x3] =	sbarrier.arrive $0xFFFF  }
0x8e: {  	_ =	shalt  }

// kernel: kernel.14.cloned.1.call-start
scs
__scs_entry_jumppad:
0x0: {  	(pc) =	sbr.rel $0x88, $3  }
0x1: {  	(tag) =	ssettag $0x0;
	lr =	simm.s32 $0x1  }
0x2: {  	[smem:$0x3F8E] =	sst lr;
	_ =	strace $0xD0000000  }
0x3: {  	_ = 	snop  }
0x4: {  	_ = 	snop  }
0x5: {  	_ = 	snop  }
0x6: {  	_ = 	snop  }
0x7: {  	_ = 	snop  }
__scs_overlays_trampoline_lowered:
0x8: {  	[smem:$0x3F9D] =	sst s0  }
0x9: {  	[smem:$0x3F9E] =	sst s1  }
0xa: {  	[smem:$0x3F9F] =	sst s2  }
0xb: {  	[smem:$0x3FA0] =	sst s3  }
0xc: {  	[smem:$0x3FA1] =	sst s4  }
0xd: {  	[smem:$0x3FA2] =	sst s5  }
0xe: {  	[smem:$0x3FA3] =	sst s6  }
0xf: {  	[smem:$0x3FA4] =	sst s7  }
0x10: {  	[smem:$0x3FA5] =	sst s8  }
0x11: {  	[smem:$0x3FA6] =	sst s9;
	s0 =	simm.s32 @!p0 $0x0  }
0x12: {  	s1 =	sld [smem:$0x3F8C];
	s0 =	simm.s32 @p0 $0x1  }
0x13: {  	[smem:$0x3FA7] =	sst s0;
	s0 =	simm.s32 @!p1 $0x0  }
0x14: {  	s2 =	sld [smem:$0x3F8B];
	s0 =	simm.s32 @p1 $0x1  }
0x15: {  	[smem:$0x3FA8] =	sst s0;
	s0 =	simm.s32 @!p2 $0x0  }
0x16: {  	s3 =	sld [smem:$0x3FDB];
	s0 =	simm.s32 @p2 $0x1  }
0x17: {  	s4 =	simm.s32 $0x1BF5;
	[smem:$0x3FAA] =	sst s0  }
0x18: {  	s0 =	sld [smem:$0x3F8D];
	_ =	swait.ge [sflag:s4], $0x0  }
0x19: {  	s7 =	sld [smem:$0x3F8E]  }
0x1a: {  	s8 =	sadd.s32 $0xFFFFE003, lr  }
0x1b: {  	s9 =	sadd.s32 $0xFFFFFEF7, lr;
	s5 =	simm.s32 $0xFFFFFFFF;
	p2 =	slt.u32 s8, $0xFFFFF086  }
0x1c: {  	p1 =	slt.u32 s9, $0xF7A;
	s5 =	simm.s32 @!p2 $0x0  }
0x1d: {  	s5 =	simm.s32 @p1 $0x1;
	p0 =	seq.s32 s7, s2  }
0x1e: {  	s7 =	smul.u32 @!p0 $0xF7A, s2;
	p2 =	seq.s32 @!p0 s5, $0x0  }
0x1f: {  	s9 =	smul.u32 $0xF7A, s1;
	s8 =	simm.s32 @!p0 $0x1BF5;
	p2 =	por !p2, p0  }
0x20: {  	[sflag:s8] =	ssyncset.s32 @!p0 $0xFFFFF086;
	s6 =	sadd.s32 @!p0 s3, s7;
	s7 =	simm.s32 @!p0 $0x108  }
0x21: {  	s3 =	sadd.s32 s3, s9;
	s6 =	sadd.s32 @!p0 $0x88, s6;
	s7 =	simm.s32 @p2 $0x1082  }
0x22: {  	[simem:s7], [sflag:s8] =	dma.local @!p0 [hbm:s6], $0xF7A  }
0x23: {  	s9 =	sor.u32 $0xD0000000, s2;
	s6 =	simm.s32 $0x108;
	_ =	swait.ge @!p0 [sflag:s8], $0x0  }
0x24: {  	s3 =	sadd.s32 $0x88, s3;
	s6 =	simm.s32 @!p1 $0x1082;
	[sflag:s4] =	ssyncset.s32 $0xFFFFF086  }
0x25: {  	[simem:s6], [sflag:s4] =	dma.local [hbm:s3], $0xF7A  }
0x26: {  	[smem:$0x3F8E] =	sst s1;
	(tag) =	ssettag s2;
	_ =	strace s9  }
0x27: {  	s1 =	sld [smem:$0x3F9E]  }
0x28: {  	s2 =	sld [smem:$0x3F9F]  }
0x29: {  	s4 =	sld [smem:$0x3FA1]  }
0x2a: {  	p0 =	seq.s32 s5, $0x0;
	s5 =	sld [smem:$0x3FA2]  }
0x2b: {  	s6 =	sld [smem:$0x3FA3]  }
0x2c: {  	s7 =	sld [smem:$0x3FA4]  }
0x2d: {  	s3 =	simm.s32 $0x108;
	s8 =	sld [smem:$0x3FA5]  }
0x2e: {  	s3 =	simm.s32 @!p0 $0x1082;
	s9 =	sld [smem:$0x3FA6]  }
0x2f: {  	lr =	sadd.s32 s0, s3;
	s0 =	sld [smem:$0x3F9D]  }
0x30: {  	s3 =	sld [smem:$0x3FA0]  }
0x31: {  	[smem:$0x3FA9] =	sst s10  }
0x32: {  	s10 =	sld [smem:$0x3FA7];
	_ =	sdelay $0x3  }
0x33: {  	p0 =	seq.s32 s10, $0x1;
	s10 =	sld [smem:$0x3FA9];
	_ =	sdelay $0x3  }
0x34: {  	[smem:$0x3FA9] =	sst s10  }
0x35: {  	s10 =	sld [smem:$0x3FA8];
	_ =	sdelay $0x3  }
0x36: {  	p1 =	seq.s32 s10, $0x1;
	s10 =	sld [smem:$0x3FA9];
	_ =	sdelay $0x3  }
0x37: {  	[smem:$0x3FA9] =	sst s10  }
0x38: {  	s10 =	sld [smem:$0x3FAA]  }
0x39: {  	_ = 	snop;
	(pc) =	sbr.ind lr, $3  }
0x3a: {  	_ = 	snop  }
0x3b: {  	_ = 	snop  }
0x3c: {  	p2 =	seq.s32 s10, $0x1;
	s10 =	sld [smem:$0x3FA9]  }
0x3d: {  	_ =	shalt  }
0x3e: {  	_ =	shalt  }
0x3f: {  	_ =	shalt  }
0x40: {  	_ =	shalt  }
0x41: {  	_ =	shalt  }
0x42: {  	_ =	shalt  }
0x43: {  	_ =	shalt  }
0x44: {  	_ =	shalt  }
0x45: {  	_ =	shalt  }
0x46: {  	_ =	shalt  }
0x47: {  	_ =	shalt  }
0x48: {  	_ =	shalt  }
0x49: {  	_ =	shalt  }
0x4a: {  	_ =	shalt  }
0x4b: {  	_ =	shalt  }
0x4c: {  	_ =	shalt  }
0x4d: {  	_ =	shalt  }
0x4e: {  	_ =	shalt  }
0x4f: {  	_ =	shalt  }
0x50: {  	_ =	shalt  }
0x51: {  	_ =	shalt  }
0x52: {  	_ =	shalt  }
0x53: {  	_ =	shalt  }
0x54: {  	_ =	shalt  }
0x55: {  	_ =	shalt  }
0x56: {  	_ =	shalt  }
0x57: {  	_ =	shalt  }
0x58: {  	_ =	shalt  }
0x59: {  	_ =	shalt  }
0x5a: {  	_ =	shalt  }
0x5b: {  	_ =	shalt  }
0x5c: {  	_ =	shalt  }
0x5d: {  	_ =	shalt  }
0x5e: {  	_ =	shalt  }
0x5f: {  	_ =	shalt  }
0x60: {  	_ =	shalt  }
0x61: {  	_ =	shalt  }
0x62: {  	_ =	shalt  }
0x63: {  	_ =	shalt  }
0x64: {  	_ =	shalt  }
0x65: {  	_ =	shalt  }
0x66: {  	_ =	shalt  }
0x67: {  	_ =	shalt  }
0x68: {  	_ =	shalt  }
0x69: {  	_ =	shalt  }
0x6a: {  	_ =	shalt  }
0x6b: {  	_ =	shalt  }
0x6c: {  	_ =	shalt  }
0x6d: {  	_ =	shalt  }
0x6e: {  	_ =	shalt  }
0x6f: {  	_ =	shalt  }
0x70: {  	_ =	shalt  }
0x71: {  	_ =	shalt  }
0x72: {  	_ =	shalt  }
0x73: {  	_ =	shalt  }
0x74: {  	_ =	shalt  }
0x75: {  	_ =	shalt  }
0x76: {  	_ =	shalt  }
0x77: {  	_ =	shalt  }
0x78: {  	_ =	shalt  }
0x79: {  	_ =	shalt  }
0x7a: {  	_ =	shalt  }
0x7b: {  	_ =	shalt  }
0x7c: {  	_ =	shalt  }
0x7d: {  	_ =	shalt  }
0x7e: {  	_ =	shalt  }
0x7f: {  	_ =	shalt  }
0x80: {  	_ =	shalt  }
0x81: {  	_ =	shalt  }
0x82: {  	_ =	shalt  }
0x83: {  	_ =	shalt  }
0x84: {  	_ =	shalt  }
0x85: {  	_ =	shalt  }
0x86: {  	_ =	shalt  }
0x87: {  	_ =	shalt  }
.Lfunc_end0:
.L_simem_size_0:
called_computation.1_lowered:
.L_overlay_start_0:
0x88: {  	s2 =	sld [smem:$0x3FD9]  }
0x89: {  	s3 =	sld [smem:$0x3FFE];
	_ =	sdelay $0x1  }
0x8a: {  	s1 =	srdreg.scid  }
0x8b: {  	s0 =	sand.u32 $0x1, s1  }
0x8c: {  	s16 =	sshll.u32 s0, $0xA;
	s2 =	sadd.s32 s3, s2  }
0x8d: {  	s2 =	sadd.s32 s2, s16  }
0x8e: {  	[smem:$0x3FB5] =	sst s2  }
0x8f: {  	_ = 	snop  }
0x90: {  	(tm) =	ssettm $0x1  }
0x91: {  	s17 =	sld [smem:$0x3FFB];
	_ =	sdelay $0x3  }
0x92: {  	_ =	strace s17  }
0x93: {  	s2 =	sld [smem:$0x3FFC];
	_ =	sdelay $0x3  }
0x94: {  	_ =	strace s2  }
0x95: {  	s2 =	sld [smem:$0x3FFD];
	_ =	sdelay $0x3  }
0x96: {  	_ =	strace s2  }
0x97: {  	_ =	strace $0x8FFFFFFF  }
0x98: {  	s18 =	sld [smem:$0x3FDB];
	_ =	sdelay $0x1  }
0x99: {  	s19 =	simm.s32 $_scs_section_size  }
0x9a: {  	s4 =	simm.s32 $_size__tile_overlayer_lowered;
	s5 =	simm.s32 $_tile_overlayer_lowered  }
0x9b: {  	s22 =	simm.s32 $0x1BFF;
	s21 =	sshll.u32 s5, $0x1;
	s2 =	sadd.s32 s19, s18  }
0x9c: {  	s6 =	simm.s32 $0x0;
	s20 =	sshll.u32 s4, $0x1;
	s4 =	sadd.s32 s21, s2  }
0x9d: {  	[timem:s6], [sflag:s22] =	dma.local [hbm:s4], s20  }
0x9e: {  	_ =	swait.ge [sflag:s22], s20  }
0x9f: {  	s3 =	ssub.s32 $0x0, s20;
	[sflag:s22] =	ssyncset.done $0x0  }
0xa0: {  	[sflag:s22] =	ssyncadd.s32 s3;
	_ =	sdelay $0x1  }
0xa1: {  	s23 =	simm.s32 $0x1B8B  }
0xa2: {  	_ =	swait.ge [sflag:s23], $0x1  }
0xa3: {  	[sflag:s23] =	ssyncset.done $0x0  }
0xa4: {  	s25 =	simm.s32 $0x1B8E;
	s24 =	sld [smem:$0x3FFE];
	[sflag:s23] =	ssyncadd.s32 $0xFFFFFFFF  }
0xa5: {  	s26 =	simm.s32 $execute0_lowered;
	[smem:$0x3FD2] =	sst s25  }
0xa6: {  	s4 =	sshll.u32 s26, $0x1;
	_ =	strace $0x80000049;
	[dreg:$0x1] =	wrdreg $0xFFFFFFFF  }
0xa7: {  	s28 =	simm.s32 $_size_execute0_lowered;
	s2 =	sadd.s32 s2, s4;
	[dreg:$0x0] =	wrdreg $0x0  }
0xa8: {  	s4 =	sshll.u32 s28, $0x1;
	[dreg:$0x2] =	wrdreg s2  }
0xa9: {  	[dreg:$0x3] =	wrdreg s4  }
0xaa: {  	[dreg:$0x4] =	wrdreg $0xC0  }
0xab: {  	_ =	task [dreg:s6], $0x5FFFF  }
0xac: {  	[dreg:$0x1] =	wrdreg $0xFFFFFFFF  }
0xad: {  	[dreg:$0x0] =	wrdreg $0x60  }
0xae: {  	[dreg:$0x2] =	wrdreg s24  }
0xaf: {  	[dreg:$0x3] =	wrdreg $0x0  }
0xb0: {  	[dreg:$0x4] =	wrdreg $0x9  }
0xb1: {  	_ =	task.clear_ibuf [dreg:s6], $0x5FFFF;
	_ =	strace $0x90000049  }
0xb2: {  	s29 =	simm.s32 $0x9;
	_ =	strace $0x8000004B  }
0xb3: {  	_ =	swait.ge [sflag:s29], $0x1  }
0xb4: {  	[sflag:s29] =	ssyncadd.s32 $0xFFFFFFFF  }
0xb5: {  	_ =	strace $0x9000004B  }
0xb6: {  	_ =	sfence  }
0xb7: {  	s30 =	sld [smem:$0x0];
	_ =	sdelay $0x2  }
0xb8: {  	s31 =	sshll.u32 s1, $0xD;
	s1 =	sshrl.u32 s1, $0x2  }
0xb9: {  	s3 =	sand.u32 $0x4000, s31;
	s1 =	sadd.s32 s1, s30  }
0xba: {  	s0 =	sor.u32 s3, s0;
	s1 =	sshll.u32 s1, $0x11  }
0xbb: {  	s0 =	sor.u32 s1, s0  }
0xbc: {  	s0 =	sadd.s32 $0x8F2B, s0  }
0xbd: {  	[sflag:s0] =	ssyncadd.remote.s32 $0x1  }
0xbe: {  	_ =	sfence.sel $0xFFFF  }
0xbf: {  	[dreg:$0x0] =	wrdreg $0xFFFFFFFF;
	(pc) =	sbr.abs _section_cstart, $3  }
0xc0: {  	[dreg:$0x1] =	wrdreg $0xFFFFFFFF  }
0xc1: {  	_ =	task.clear_ibuf [dreg:s6], $0x2FFFF;
	_ =	strace $0x9FFFFFFF  }
0xc2: {  	(tm) =	ssettm $0x7FFFFFFF  }
0xc3: {  	_ =	shalt  }
tec
execute0_lowered:
.L_overlay_start_1:
0x0: {  	(tag) =	ssettag $0x1  }
0x1: {  	s20 =	stileid.u32  }
0x2: {  	s0 =	srdreg.scid;
	s3 =	smul.u32 $0x2400, s20  }
0x3: {  	s4 =	rddreg [dreg:$0x0];
	s16 =	smul.u32 $0x280, s20  }
0x4: {  	s1 =	simm.s32 $0x0;
	s0 =	sand.u32 $0x1, s0;
	s10 =	smul.u32 $0x16800, s20  }
0x5: {  	[smem:$0x7FF] =	sst s1;
	s8 =	sadd.s32 $0x3A00, s4;
	s2 =	smul.u32 $0x24000, s0  }
0x6: {  	s15 =	sshll.u32 s0, $0x7;
	s17 =	ssub.s32 $0x2, s0;
	s9 =	smul.u32 $0x168000, s0  }
0x7: {  	s6 =	sshll.u32 s0, $0x4;
	s18 =	sadd.s32 s15, s4;
	s19 =	sshrl.u32 s17, $0x1  }
0x8: {  	s11 =	sor.u32 $0x40, s16;
	s13 =	sadd.s32 $0x80, s16;
	s6 =	sor.u32 s20, s6  }
0x9: {  	s16 =	sadd.s32 $0xD800, s10;
	s2 =	sadd.s32 s3, s2;
	s0 =	smul.u32 $0x90, s11  }
0xa: {  	s12 =	sadd.s32 s9, s10;
	s19 =	ssub.s32 s17, s19;
	s2 =	sshrl.u32 s2, $0x3  }
0xb: {  	p0 =	slt.u32 s6, $0x8;
	s21 =	sshrl.u32 s12, $0x3;
	s5 =	sadd.s32 s2, s4  }
0xc: {  	s2 =	smul.u32 $0x90, s13;
	s3 =	sadd.s32 s8, s21;
	s22 =	sadd.s32 s9, s0  }
0xd: {  	s21 =	sadd.s32 s9, s16;
	[dreg:$0x3] =	wrdreg s3;
	s24 =	sshrl.u32 s22, $0x3  }
0xe: {  	s3 =	sadd.s32 $0x6C00, s10;
	s23 =	sadd.s32 s9, s2;
	s6 =	sadd.s32 s8, s24  }
0xf: {  	s25 =	sadd.s32 s9, s3;
	s4 =	sshrl.u32 s23, $0x3;
	[dreg:$0x4] =	wrdreg s6  }
0x10: {  	s26 =	sshrl.u32 s25, $0x3;
	s6 =	sadd.s32 $0xB400, s10;
	s25 =	sshll.u32 s20, $0x3  }
0x11: {  	s4 =	sadd.s32 s8, s4;
	s7 =	sadd.s32 s8, s26;
	s14 =	sadd.s32 s9, s6  }
0x12: {  	[dreg:$0x5] =	wrdreg s4;
	s4 =	sadd.s32 $0x9000, s10;
	s14 =	sshrl.u32 s14, $0x3  }
0x13: {  	[dreg:$0x6] =	wrdreg s7;
	s7 =	sadd.s32 s9, s4;
	s17 =	sadd.s32 s8, s14  }
0x14: {  	s12 =	sshrl.u32 s7, $0x3;
	[dreg:$0x8] =	wrdreg s17;
	s17 =	sadd.s32 $0xFC00, s10  }
0x15: {  	s7 =	sadd.s32 $0x12000, s10;
	s15 =	sadd.s32 s8, s12;
	s12 =	sshrl.u32 s21, $0x3  }
0x16: {  	s22 =	sadd.s32 s9, s17;
	s23 =	sadd.s32 s9, s7;
	[dreg:$0x7] =	wrdreg s15  }
0x17: {  	s12 =	sadd.s32 s8, s12;
	s14 =	sshrl.u32 s23, $0x3;
	s15 =	sadd.s32 $0x14400, s10  }
0x18: {  	[dreg:$0x9] =	wrdreg s12;
	s12 =	sshrl.u32 s22, $0x3;
	s24 =	sadd.s32 s8, s14  }
0x19: {  	s9 =	sadd.s32 s9, s15;
	s12 =	sadd.s32 s8, s12;
	[dreg:$0xb] =	wrdreg s24  }
0x1a: {  	s26 =	smul.u32 $0x240, s11;
	s9 =	sshrl.u32 s9, $0x3;
	[dreg:$0xa] =	wrdreg s12  }
0x1b: {  	s14 =	simm.s32 $0x9D;
	s12 =	rddreg [dreg:$0x1];
	s8 =	sadd.s32 s8, s9  }
0x1c: {  	s14 =	simm.s32 @!p0 $0x9C;
	s9 =	smul.u32 $0x5A000, s20;
	[dreg:$0xc] =	wrdreg s8  }
0x1d: {  	s8 =	sadd.s32 s25, s18;
	s10 =	sadd.s32 s10, s12;
	s18 =	smax.u32 s19, $0x1  }
0x1e: {  	s19 =	smul.u32 $0x240, s13;
	s28 =	sadd.s32 s0, s12;
	s29 =	sadd.s32 s2, s12  }
0x1f: {  	s30 =	sadd.s32 s3, s12;
	s31 =	sadd.s32 s4, s12;
	s11 =	sadd.s32 s6, s12  }
0x20: {  	s0 =	sadd.s32 s16, s12;
	s2 =	sadd.s32 s17, s12;
	s3 =	sadd.s32 s7, s12  }
0x21: {  	s4 =	sadd.s32 s15, s12;
	_ =	strace $0x8000004A;
	[dreg:$0xd] =	wrdreg s10  }
0x22: {  	s16 =	sadd.s32 $0xC74A00, s5;
	s7 =	simm.s32 $0x16840;
	[dreg:$0xe] =	wrdreg s18  }
0x23: {  	s20 =	sshrl.u32 s9, $0x2;
	s10 =	sshrl.u32 s26, $0x2;
	s21 =	sadd.s32 $0x1B000, s9  }
0x24: {  	s24 =	sadd.s32 $0x24000, s9;
	s25 =	sadd.s32 $0x2D000, s9;
	s26 =	sadd.s32 $0x36000, s9  }
0x25: {  	s17 =	sadd.s32 $0x2A6C00, s8;
	s8 =	simm.s32 $0x1;
	s13 =	sadd.s32 s20, s12  }
0x26: {  	s18 =	sadd.s32 s10, s12;
	s22 =	sshrl.u32 s19, $0x2;
	s23 =	sshrl.u32 s21, $0x2  }
0x27: {  	s10 =	sshrl.u32 s24, $0x2;
	s24 =	sadd.s32 $0x3F000, s9;
	[dreg:$0xf] =	wrdreg s13  }
0x28: {  	s19 =	sadd.s32 s22, s12;
	s20 =	sadd.s32 s23, s12;
	s21 =	sadd.s32 s10, s12  }
0x29: {  	s22 =	sshrl.u32 s25, $0x2;
	s23 =	sshrl.u32 s26, $0x2;
	s10 =	sshrl.u32 s24, $0x2  }
0x2a: {  	s25 =	sadd.s32 $0x48000, s9;
	s9 =	sadd.s32 $0x51000, s9;
	s13 =	simm.s32 $0x0  }
0x2b: {  	s22 =	sadd.s32 s22, s12;
	s23 =	sadd.s32 s23, s12;
	s24 =	sadd.s32 s10, s12  }
0x2c: {  	s26 =	sshrl.u32 s25, $0x2;
	s9 =	sshrl.u32 s9, $0x2;
	s10 =	simm.s32 $0x40  }
0x2d: {  	v0 =	vimm.f32 $0.0e+00;
	s25 =	sadd.s32 s26, s12;
	s26 =	sadd.s32 s9, s12;
	s9 =	simm.s32 $0x16800  }
.LBB2_1:
0x2e: {  	s5 =	simm.s32 $0x0;
	s6 =	simm.s32 $0x240  }
.LBB2_2:
0x2f: {  	p0 =	sne.s32 s6, $0x8DC0;
	[tilespmem:s5+$0x168C0] =	vst v0  }
0x30: {  	[tilespmem:s5+$0x16840] =	vst v0  }
0x31: {  	[tilespmem:s5+$0x16850] =	vst v0  }
0x32: {  	[tilespmem:s5+$0x16860] =	vst v0  }
.Ltmp0:
0x33: {  	[tilespmem:s5+$0x16870] =	vst v0;
	(pc) =	sbr.rel @p0 .LBB2_2-.Ltmp0, $4  }
0x34: {  	[tilespmem:s5+$0x16880] =	vst v0  }
0x35: {  	[tilespmem:s5+$0x16890] =	vst v0  }
0x36: {  	[tilespmem:s5+$0x168A0] =	vst v0  }
0x37: {  	[tilespmem:s5+$0x168B0] =	vst v0;
	s5 =	sshra.s32 s6, $0x2;
	s6 =	sadd.s32 $0x240, s6  }
0x38: {  	[tilespmem:s5+$0x168C0] =	vst v0  }
0x39: {  	[tilespmem:s5+$0x16840] =	vst v0  }
0x3a: {  	[tilespmem:s5+$0x16850] =	vst v0  }
0x3b: {  	[tilespmem:s5+$0x16860] =	vst v0  }
0x3c: {  	[tilespmem:s5+$0x16870] =	vst v0  }
0x3d: {  	[tilespmem:s5+$0x16880] =	vst v0  }
0x3e: {  	[tilespmem:s5+$0x16890] =	vst v0  }
0x3f: {  	[tilespmem:s5+$0x168A0] =	vst v0  }
0x40: {  	[tilespmem:s5+$0x168B0] =	vst v0;
	s15 =	rddreg [dreg:$0xf]  }
0x41: {  	[spmem:s15] =	stream.linear.scatter [tilespmem:s7], [sflag:$0x1], $0x2400, $0x38;
	[tilespmem:$0x18C40] =	vst v63  }
0x42: {  	_ =	swait.ge [sflag:s8], $0x2400  }
0x43: {  	[sflag:s8] =	ssyncset.done $0x0  }
0x44: {  	[sflag:s8] =	ssyncadd.s32 $0xFFFFDC00  }
0x45: {  	[spmem:s18] =	stream.linear.scatter [tilespmem:s7], [sflag:$0x1], $0x2400, $0x38;
	[tilespmem:$0x18C40] =	vst v63  }
0x46: {  	_ =	swait.ge [sflag:s8], $0x2400  }
0x47: {  	[sflag:s8] =	ssyncset.done $0x0  }
0x48: {  	[sflag:s8] =	ssyncadd.s32 $0xFFFFDC00  }
0x49: {  	[spmem:s19] =	stream.linear.scatter [tilespmem:s7], [sflag:$0x1], $0x2400, $0x38;
	[tilespmem:$0x18C40] =	vst v63  }
0x4a: {  	_ =	swait.ge [sflag:s8], $0x2400  }
0x4b: {  	[sflag:s8] =	ssyncset.done $0x0  }
0x4c: {  	[sflag:s8] =	ssyncadd.s32 $0xFFFFDC00  }
0x4d: {  	[spmem:s20] =	stream.linear.scatter [tilespmem:s7], [sflag:$0x1], $0x2400, $0x38;
	[tilespmem:$0x18C40] =	vst v63  }
0x4e: {  	_ =	swait.ge [sflag:s8], $0x2400  }
0x4f: {  	[sflag:s8] =	ssyncset.done $0x0  }
0x50: {  	[sflag:s8] =	ssyncadd.s32 $0xFFFFDC00  }
0x51: {  	[spmem:s21] =	stream.linear.scatter [tilespmem:s7], [sflag:$0x1], $0x2400, $0x38;
	[tilespmem:$0x18C40] =	vst v63  }
0x52: {  	_ =	swait.ge [sflag:s8], $0x2400  }
0x53: {  	[sflag:s8] =	ssyncset.done $0x0  }
0x54: {  	[sflag:s8] =	ssyncadd.s32 $0xFFFFDC00  }
0x55: {  	[spmem:s22] =	stream.linear.scatter [tilespmem:s7], [sflag:$0x1], $0x2400, $0x38;
	[tilespmem:$0x18C40] =	vst v63  }
0x56: {  	_ =	swait.ge [sflag:s8], $0x2400  }
0x57: {  	[sflag:s8] =	ssyncset.done $0x0  }
0x58: {  	[sflag:s8] =	ssyncadd.s32 $0xFFFFDC00  }
0x59: {  	[spmem:s23] =	stream.linear.scatter [tilespmem:s7], [sflag:$0x1], $0x2400, $0x38;
	[tilespmem:$0x18C40] =	vst v63  }
0x5a: {  	_ =	swait.ge [sflag:s8], $0x2400  }
0x5b: {  	[sflag:s8] =	ssyncset.done $0x0  }
0x5c: {  	[sflag:s8] =	ssyncadd.s32 $0xFFFFDC00  }
0x5d: {  	[spmem:s24] =	stream.linear.scatter [tilespmem:s7], [sflag:$0x1], $0x2400, $0x38;
	[tilespmem:$0x18C40] =	vst v63  }
0x5e: {  	_ =	swait.ge [sflag:s8], $0x2400  }
0x5f: {  	[sflag:s8] =	ssyncset.done $0x0  }
0x60: {  	[sflag:s8] =	ssyncadd.s32 $0xFFFFDC00  }
0x61: {  	[spmem:s25] =	stream.linear.scatter [tilespmem:s7], [sflag:$0x1], $0x2400, $0x38;
	[tilespmem:$0x18C40] =	vst v63  }
0x62: {  	_ =	swait.ge [sflag:s8], $0x2400  }
0x63: {  	[sflag:s8] =	ssyncset.done $0x0  }
0x64: {  	[sflag:s8] =	ssyncadd.s32 $0xFFFFDC00  }
0x65: {  	[spmem:s26] =	stream.linear.scatter [tilespmem:s7], [sflag:$0x1], $0x2400, $0x38;
	[tilespmem:$0x18C40] =	vst v63  }
0x66: {  	_ =	swait.ge [sflag:s8], $0x2400  }
0x67: {  	[sflag:s8] =	ssyncset.done $0x0  }
0x68: {  	[sflag:s8] =	ssyncadd.s32 $0xFFFFDC00  }
0x69: {  	[bflag:$0x0] =	sbarrier.arrive $0xFFFF  }
0x6a: {  	[tilespmem:s9], [sflag:$0x1] =	stream.linear.gather [hbm4b:s17+s1], $0x40, $0x38;
	[tilespmem:$0x18C40] =	vst v63  }
0x6b: {  	_ =	swait.ge [sflag:s8], $0x40  }
0x6c: {  	[sflag:s8] =	ssyncset.done $0x0  }
0x6d: {  	[sflag:s8] =	ssyncadd.s32 $0xFFFFFFC0  }
0x6e: {  	[tilespmem:s7], [sflag:$0x1] =	stream.linear.gather [hbm4b:s16+s1], $0x2400, $0x38;
	[tilespmem:$0x18C40] =	vst v63  }
0x6f: {  	p0 =	sne.s32 s14, $0x1;
	_ =	swait.ge [sflag:s8], $0x2400  }
.Ltmp1:
0x70: {  	[sflag:s8] =	ssyncset.done $0x0;
	(pc) =	sbr.rel @!p0 .LBB2_5-.Ltmp1, $4  }
0x71: {  	[sflag:s8] =	ssyncadd.s32 $0xFFFFDC00  }
0x72: {  	[spmem:s12] =	stream.indirect.scatter.add.f32 [tilespmem:s7], [sflag:$0x1], $0x90, s9, s10, $0xb8;
	[tilespmem:$0x18C40] =	vst v63  }
0x73: {  	s5 =	smov.u32 s16;
	_ =	swait.ge [sflag:s8], $0x2400  }
0x74: {  	s6 =	smov.u32 s17;
	s15 =	sadd.s32 $0xFFFFFFFF, s14;
	[sflag:s8] =	ssyncset.done $0x0  }
.LBB2_4:
0x75: {  	[sflag:s8] =	ssyncadd.s32 $0xFFFFDC00;
	s5 =	sadd.s32 $0x9000, s5;
	s6 =	sadd.s32 $0x100, s6  }
0x76: {  	[tilespmem:s9], [sflag:$0x1] =	stream.linear.gather [hbm4b:s6+s1], $0x40, $0x38;
	[tilespmem:$0x18C40] =	vst v63  }
0x77: {  	p0 =	sne.s32 s15, $0x1;
	s15 =	sadd.s32 $0xFFFFFFFF, s15;
	_ =	swait.ge [sflag:s8], $0x40  }
0x78: {  	[sflag:s8] =	ssyncset.done $0x0  }
0x79: {  	[sflag:s8] =	ssyncadd.s32 $0xFFFFFFC0  }
0x7a: {  	[tilespmem:s7], [sflag:$0x1] =	stream.linear.gather [hbm4b:s5+s1], $0x2400, $0x38;
	[tilespmem:$0x18C40] =	vst v63  }
0x7b: {  	_ =	swait.ge [sflag:s8], $0x2400  }
.Ltmp2:
0x7c: {  	[sflag:s8] =	ssyncset.done $0x0;
	(pc) =	sbr.rel @p0 .LBB2_4-.Ltmp2, $4  }
0x7d: {  	[sflag:s8] =	ssyncadd.s32 $0xFFFFDC00  }
0x7e: {  	[spmem:s12] =	stream.indirect.scatter.add.f32 [tilespmem:s7], [sflag:$0x1], $0x90, s9, s10, $0xb8;
	[tilespmem:$0x18C40] =	vst v63  }
0x7f: {  	_ =	swait.ge [sflag:s8], $0x2400  }
0x80: {  	[sflag:s8] =	ssyncset.done $0x0  }
.LBB2_5:
0x81: {  	[sflag:s8] =	ssyncadd.s32 $0xFFFFDC00  }
0x82: {  	[bflag:$0x0] =	sbarrier.arrive $0xFFFF  }
0x83: {  	s5 =	rddreg [dreg:$0xd]  }
0x84: {  	[tilespmem:s7], [sflag:$0x1] =	stream.linear.gather [spmem:s5], $0x2400, $0x38;
	[tilespmem:$0x18C40] =	vst v63  }
0x85: {  	_ =	swait.ge [sflag:s8], $0x2400  }
0x86: {  	[sflag:s8] =	ssyncset.done $0x0  }
0x87: {  	s15 =	rddreg [dreg:$0x3];
	[sflag:s8] =	ssyncadd.s32 $0xFFFFDC00  }
0x88: {  	[hbm4b:s15+s1] =	stream.linear.scatter [tilespmem:s7], [sflag:$0x1], $0x2400, $0x38;
	[tilespmem:$0x18C40] =	vst v63  }
0x89: {  	_ =	swait.ge [sflag:s8], $0x2400  }
0x8a: {  	[sflag:s8] =	ssyncset.done $0x0  }
0x8b: {  	[sflag:s8] =	ssyncadd.s32 $0xFFFFDC00  }
0x8c: {  	[tilespmem:s7], [sflag:$0x1] =	stream.linear.gather [spmem:s28], $0x2400, $0x38;
	[tilespmem:$0x18C40] =	vst v63  }
0x8d: {  	_ =	swait.ge [sflag:s8], $0x2400  }
0x8e: {  	[sflag:s8] =	ssyncset.done $0x0  }
0x8f: {  	s6 =	rddreg [dreg:$0x4];
	[sflag:s8] =	ssyncadd.s32 $0xFFFFDC00  }
0x90: {  	[hbm4b:s6+s1] =	stream.linear.scatter [tilespmem:s7], [sflag:$0x1], $0x2400, $0x38;
	[tilespmem:$0x18C40] =	vst v63  }
0x91: {  	_ =	swait.ge [sflag:s8], $0x2400  }
0x92: {  	[sflag:s8] =	ssyncset.done $0x0  }
0x93: {  	[sflag:s8] =	ssyncadd.s32 $0xFFFFDC00  }
0x94: {  	[tilespmem:s7], [sflag:$0x1] =	stream.linear.gather [spmem:s29], $0x2400, $0x38;
	[tilespmem:$0x18C40] =	vst v63  }
0x95: {  	_ =	swait.ge [sflag:s8], $0x2400  }
0x96: {  	[sflag:s8] =	ssyncset.done $0x0  }
0x97: {  	s15 =	rddreg [dreg:$0x5];
	[sflag:s8] =	ssyncadd.s32 $0xFFFFDC00  }
0x98: {  	[hbm4b:s15+s1] =	stream.linear.scatter [tilespmem:s7], [sflag:$0x1], $0x2400, $0x38;
	[tilespmem:$0x18C40] =	vst v63  }
0x99: {  	_ =	swait.ge [sflag:s8], $0x2400  }
0x9a: {  	[sflag:s8] =	ssyncset.done $0x0  }
0x9b: {  	[sflag:s8] =	ssyncadd.s32 $0xFFFFDC00  }
0x9c: {  	[tilespmem:s7], [sflag:$0x1] =	stream.linear.gather [spmem:s30], $0x2400, $0x38;
	[tilespmem:$0x18C40] =	vst v63  }
0x9d: {  	_ =	swait.ge [sflag:s8], $0x2400  }
0x9e: {  	[sflag:s8] =	ssyncset.done $0x0  }
0x9f: {  	s6 =	rddreg [dreg:$0x6];
	[sflag:s8] =	ssyncadd.s32 $0xFFFFDC00  }
0xa0: {  	[hbm4b:s6+s1] =	stream.linear.scatter [tilespmem:s7], [sflag:$0x1], $0x2400, $0x38;
	[tilespmem:$0x18C40] =	vst v63  }
0xa1: {  	_ =	swait.ge [sflag:s8], $0x2400  }
0xa2: {  	[sflag:s8] =	ssyncset.done $0x0  }
0xa3: {  	[sflag:s8] =	ssyncadd.s32 $0xFFFFDC00  }
0xa4: {  	[tilespmem:s7], [sflag:$0x1] =	stream.linear.gather [spmem:s31], $0x2400, $0x38;
	[tilespmem:$0x18C40] =	vst v63  }
0xa5: {  	_ =	swait.ge [sflag:s8], $0x2400  }
0xa6: {  	[sflag:s8] =	ssyncset.done $0x0  }
0xa7: {  	s15 =	rddreg [dreg:$0x7];
	[sflag:s8] =	ssyncadd.s32 $0xFFFFDC00  }
0xa8: {  	[hbm4b:s15+s1] =	stream.linear.scatter [tilespmem:s7], [sflag:$0x1], $0x2400, $0x38;
	[tilespmem:$0x18C40] =	vst v63  }
0xa9: {  	_ =	swait.ge [sflag:s8], $0x2400  }
0xaa: {  	[sflag:s8] =	ssyncset.done $0x0  }
0xab: {  	[sflag:s8] =	ssyncadd.s32 $0xFFFFDC00  }
0xac: {  	[tilespmem:s7], [sflag:$0x1] =	stream.linear.gather [spmem:s11], $0x2400, $0x38;
	[tilespmem:$0x18C40] =	vst v63  }
0xad: {  	_ =	swait.ge [sflag:s8], $0x2400  }
0xae: {  	[sflag:s8] =	ssyncset.done $0x0  }
0xaf: {  	s6 =	rddreg [dreg:$0x8];
	[sflag:s8] =	ssyncadd.s32 $0xFFFFDC00  }
0xb0: {  	[hbm4b:s6+s1] =	stream.linear.scatter [tilespmem:s7], [sflag:$0x1], $0x2400, $0x38;
	[tilespmem:$0x18C40] =	vst v63  }
0xb1: {  	_ =	swait.ge [sflag:s8], $0x2400  }
0xb2: {  	[sflag:s8] =	ssyncset.done $0x0  }
0xb3: {  	[sflag:s8] =	ssyncadd.s32 $0xFFFFDC00  }
0xb4: {  	[tilespmem:s7], [sflag:$0x1] =	stream.linear.gather [spmem:s0], $0x2400, $0x38;
	[tilespmem:$0x18C40] =	vst v63  }
0xb5: {  	_ =	swait.ge [sflag:s8], $0x2400  }
0xb6: {  	[sflag:s8] =	ssyncset.done $0x0  }
0xb7: {  	s15 =	rddreg [dreg:$0x9];
	[sflag:s8] =	ssyncadd.s32 $0xFFFFDC00  }
0xb8: {  	[hbm4b:s15+s1] =	stream.linear.scatter [tilespmem:s7], [sflag:$0x1], $0x2400, $0x38;
	[tilespmem:$0x18C40] =	vst v63  }
0xb9: {  	_ =	swait.ge [sflag:s8], $0x2400  }
0xba: {  	[sflag:s8] =	ssyncset.done $0x0  }
0xbb: {  	[sflag:s8] =	ssyncadd.s32 $0xFFFFDC00  }
0xbc: {  	[tilespmem:s7], [sflag:$0x1] =	stream.linear.gather [spmem:s2], $0x2400, $0x38;
	[tilespmem:$0x18C40] =	vst v63  }
0xbd: {  	_ =	swait.ge [sflag:s8], $0x2400  }
0xbe: {  	[sflag:s8] =	ssyncset.done $0x0  }
0xbf: {  	s6 =	rddreg [dreg:$0xa];
	[sflag:s8] =	ssyncadd.s32 $0xFFFFDC00  }
0xc0: {  	[hbm4b:s6+s1] =	stream.linear.scatter [tilespmem:s7], [sflag:$0x1], $0x2400, $0x38;
	[tilespmem:$0x18C40] =	vst v63  }
0xc1: {  	_ =	swait.ge [sflag:s8], $0x2400  }
0xc2: {  	[sflag:s8] =	ssyncset.done $0x0  }
0xc3: {  	[sflag:s8] =	ssyncadd.s32 $0xFFFFDC00  }
0xc4: {  	[tilespmem:s7], [sflag:$0x1] =	stream.linear.gather [spmem:s3], $0x2400, $0x38;
	[tilespmem:$0x18C40] =	vst v63  }
0xc5: {  	_ =	swait.ge [sflag:s8], $0x2400  }
0xc6: {  	[sflag:s8] =	ssyncset.done $0x0  }
0xc7: {  	s15 =	rddreg [dreg:$0xb];
	[sflag:s8] =	ssyncadd.s32 $0xFFFFDC00  }
0xc8: {  	[hbm4b:s15+s1] =	stream.linear.scatter [tilespmem:s7], [sflag:$0x1], $0x2400, $0x38;
	[tilespmem:$0x18C40] =	vst v63  }
0xc9: {  	_ =	swait.ge [sflag:s8], $0x2400  }
0xca: {  	[sflag:s8] =	ssyncset.done $0x0  }
0xcb: {  	[sflag:s8] =	ssyncadd.s32 $0xFFFFDC00  }
0xcc: {  	[tilespmem:s7], [sflag:$0x1] =	stream.linear.gather [spmem:s4], $0x2400, $0x38;
	[tilespmem:$0x18C40] =	vst v63  }
0xcd: {  	_ =	swait.ge [sflag:s8], $0x2400  }
0xce: {  	[sflag:s8] =	ssyncset.done $0x0  }
0xcf: {  	s6 =	rddreg [dreg:$0xc];
	[sflag:s8] =	ssyncadd.s32 $0xFFFFDC00  }
0xd0: {  	[hbm4b:s6+s1] =	stream.linear.scatter [tilespmem:s7], [sflag:$0x1], $0x2400, $0x38;
	[tilespmem:$0x18C40] =	vst v63  }
0xd1: {  	_ =	swait.ge [sflag:s8], $0x2400  }
0xd2: {  	s13 =	sadd.s32 $0x1, s13;
	s15 =	rddreg [dreg:$0xe]  }
0xd3: {  	p0 =	sne.s32 s13, s15  }
.Ltmp3:
0xd4: {  	_ = 	snop;
	(pc) =	sbr.rel @p0 .LBB2_1-.Ltmp3, $3  }
0xd5: {  	_ =	sdelay $0x1  }
0xd6: {  	[sflag:s8] =	ssyncset.done $0x0  }
0xd7: {  	[sflag:s8] =	ssyncadd.s32 $0xFFFFDC00  }
0xd8: {  	_ =	sfence.sel $0x180000  }
0xd9: {  	[bflag:$0x0] =	sbarrier.arrive $0xFFFF  }
0xda: {  	_ =	strace $0x9000004A  }
0xdb: {  	s0 =	stileid.u32;
	[bflag:$0x2] =	sbarrier.arrive $0xFFFF  }
0xdc: {  	p0 =	sne.s32 s0, $0x0;
	s0 =	rddreg [dreg:$0x2]  }
0xdd: {  	s0 =	sadd.s32 @!p0 $0x100000, s0  }
0xde: {  	[sflag:s0] =	ssyncadd.tile.s32 @!p0 $0x1;
	_ =	shalt  }
.Lfunc_end2:
_tile_overlayer_lowered:
.L_overlay_start_2:
0xdf: {  	(tag) =	ssettag $0x2  }
0xe0: {  	s0 =	rddreg [dreg:$0x0];
	s2 =	stileid.u32  }
0xe1: {  	s1 =	rddreg [dreg:$0x1];
	p0 =	sne.s32 s2, $0x0  }
0xe2: {  	s3 =	rddreg [dreg:$0x2];
	[bflag:$0x3] =	sbarrier.arrive $0xFFFF;
	s2 =	simm.s32 @!p0 $0x1C01  }
0xe3: {  	[timem:s3], [sflag:s2] =	dma.local @!p0 [hbm:s0], s1  }
0xe4: {  	s0 =	simm.s32 @!p0 $0x1  }
0xe5: {  	_ =	swait.ge @!p0 [sflag:s0], s1  }
0xe6: {  	s1 =	ssub.s32 @!p0 $0x0, s1;
	[sflag:s0] =	ssyncset.done @!p0 $0x0  }
0xe7: {  	[sflag:s0] =	ssyncadd.s32 @!p0 s1  }
0xe8: {  	[bflag:$0x3] =	sbarrier.arrive $0xFFFF  }
0xe9: {  	_ =	shalt  }

</sc_bundles>
